<compile_context>
chip_gen: v7x
topology: tpu7x:2x2x1
jax: 0.10.2.dev20260603
libtpu: 0.0.44.dev20260713+nightly
codegen_flags: <defaults>
</compile_context>

<pallas_src>
import numpy as np
import jax
import jax.numpy as jnp
from jax.experimental import pallas as pl
from jax.experimental.pallas import tpu as pltpu

_B = 64
_P = 128
_N = 8128
_KNN = 16
_LAYERS = 3
_RB = 16


def _build_layout():
    offs = (np.arange(128) * (np.arange(128) - 1)) // 2
    idx = np.zeros((_B, _P), np.int32)
    sid = np.full((_B, _P), -1, np.int32)
    qp1 = np.zeros((_B, _P), np.float32)
    inv = np.zeros((_N,), np.int32)
    for b in range(_B):
        slot = 0
        for s in (b, 127 - b):
            if s == 0:
                continue
            idx[b, slot:slot + s] = offs[s] + np.arange(s)
            sid[b, slot:slot + s] = s
            qp1[b, slot:slot + s] = min(_KNN, s - 2) + 1
            inv[offs[s]:offs[s] + s] = b * _P + slot + np.arange(s)
            slot += s
    return idx, sid, qp1, inv


_IDX, _SID, _QP1, _INV = _build_layout()


def _silu(v):
    h = 0.5 * v
    return h + h * jnp.tanh(h)


def _tpT(a):
    e = jnp.eye(128, dtype=jnp.float32)
    return jax.lax.dot_general(a, e, (((0,), (0,)), ((), ())),
                               preferred_element_type=jnp.float32)


def _egnn_kernel(z_ref, x_ref, sidc_ref, sidr_ref, qp1_ref, emb_ref,
                 W1a, W1b, w1d, b1, W2, b2,
                 pW1, pb1, pW2c, pb2,
                 nW1a, nW1b, nb1, nW2, nb2,
                 out_ref,
                 H_s, Xt_s, D_s, T_s, Af_s, cnt_s, Xs_s, Ms_s,
                 Di_s, Ha_s):
    zrow = z_ref[0]
    cls = jax.lax.broadcasted_iota(jnp.int32, (128, 128), 0)
    oneT = (cls == zrow).astype(jnp.float32)
    H_s[...] = jax.lax.dot_general(oneT, emb_ref[...],
                                   (((0,), (0,)), ((), ())),
                                   preferred_element_type=jnp.float32)
    Xt_s[...] = x_ref[0]

    sidc = sidc_ref[0]
    sidr = sidr_ref[0]
    ii = jax.lax.broadcasted_iota(jnp.int32, (128, 128), 0)
    jj = jax.lax.broadcasted_iota(jnp.int32, (128, 128), 1)
    vmask = (sidc == sidr) & (sidc >= 0) & (ii != jj)

    def compute_D():
        Xt = Xt_s[...]
        XtT = _tpT(Xt)
        acc = None
        for c in range(3):
            d = Xt[:, c:c + 1] - XtT[c:c + 1, :]
            sq = d * d
            acc = sq if acc is None else acc + sq
        D_s[...] = jnp.sqrt(acc)

    compute_D()
    Di_s[...] = jnp.where(vmask, D_s[...], jnp.inf)

    def tblk(b):
        r0 = b * 8
        Dr = Di_s[pl.ds(r0, 8), :]
        qr = qp1_ref[0, pl.ds(r0, 8), :]
        cmp = (Dr[:, None, :] <= Dr[:, :, None]).astype(jnp.float32)
        c = jnp.sum(cmp, axis=2)
        Tr = jnp.min(jnp.where(c >= qr, Dr, jnp.inf), axis=1, keepdims=True)
        T_s[pl.ds(r0, 8), :] = Tr

    def tblk2(b, carry):
        tblk(b * 2)
        tblk(b * 2 + 1)
        return carry

    jax.lax.fori_loop(0, 8, tblk2, 0)

    M = (D_s[...] < T_s[...]) & vmask
    Mf = jnp.where(M, 1.0, 0.0)
    Af = jnp.minimum(Mf + _tpT(Mf), 1.0)
    Af_s[...] = Af
    cnt_s[...] = jnp.maximum(jnp.sum(Af, axis=1, keepdims=True), 1.0)

    for l in range(_LAYERS):
        if l > 0:
            compute_D()
        H = H_s[...]
        Ha_s[...] = (jnp.dot(H, W1a[l], preferred_element_type=jnp.float32)
                     + b1[l])
        Hb = jnp.dot(H, W1b[l], preferred_element_type=jnp.float32)
        Xs_s[...] = jnp.zeros((128, 3), jnp.float32)
        Ms_s[...] = jnp.zeros((128, 128), jnp.float32)
        Xt = Xt_s[...]
        w1dl = w1d[l][None]
        W2l = W2[l]
        b2l = b2[l]
        pW1l = pW1[l]
        pb1l = pb1[l]
        pW2cl = pW2c[l]
        pb2l = pb2[l][0, 0]

        def blk(bi):
            r0 = bi * _RB
            Dr = D_s[pl.ds(r0, _RB), :]
            Har = Ha_s[pl.ds(r0, _RB), :]
            P = _silu(Har[:, None, :] + Hb[None, :, :]
                      + Dr[:, :, None] * w1dl)
            P2 = P.reshape(_RB * 128, 128)
            m = _silu(jnp.dot(P2, W2l, preferred_element_type=jnp.float32)
                      + b2l)
            t = _silu(jnp.dot(m, pW1l, preferred_element_type=jnp.float32)
                      + pb1l)
            w = jnp.dot(t, pW2cl, preferred_element_type=jnp.float32) + pb2l
            wre = w.reshape(_RB, 128)
            Ar = Af_s[pl.ds(r0, _RB), :]
            AW = Ar * wre
            xr = Xt_s[pl.ds(r0, _RB), :]
            xs = (jnp.dot(AW, Xt, preferred_element_type=jnp.float32)
                  - jnp.sum(AW, axis=1, keepdims=True) * xr)
            Xs_s[pl.ds(r0, _RB), :] = xs
            m3 = m.reshape(_RB, 128, 128)
            Ms_s[pl.ds(r0, _RB), :] = jnp.sum(m3 * Ar[:, :, None], axis=1)

        def blk2(bi, carry):
            blk(bi * 2)
            blk(bi * 2 + 1)
            return carry

        jax.lax.fori_loop(0, 64 // _RB, blk2, 0)

        cnt = cnt_s[...]
        Mi = Ms_s[...] / cnt
        Hn = H + (jnp.dot(
            _silu(jnp.dot(H, nW1a[l], preferred_element_type=jnp.float32)
                  + jnp.dot(Mi, nW1b[l], preferred_element_type=jnp.float32)
                  + nb1[l]),
            nW2[l], preferred_element_type=jnp.float32) + nb2[l])
        H_s[...] = Hn
        Xt_s[...] = Xt + Xs_s[...] / cnt

    out_ref[0] = Xt_s[...]


def _full(shape):
    nd = len(shape)
    return pl.BlockSpec(shape, lambda i, _nd=nd: (0,) * _nd)


def kernel(x, z, num_atoms, edges, emb, params):
    idx = jnp.asarray(_IDX)
    inv = jnp.asarray(_INV)
    xp = x[idx]
    zp = z[idx].astype(jnp.int32).reshape(_B, 1, _P)
    sidc = jnp.asarray(_SID).reshape(_B, _P, 1)
    sidr = jnp.asarray(_SID).reshape(_B, 1, _P)
    qp1 = jnp.asarray(_QP1).reshape(_B, _P, 1)
    emb_p = jnp.pad(emb, ((0, 128 - emb.shape[0]), (0, 0)))

    st = lambda k: jnp.stack([p[k] for p in params])
    W1 = st("eW1")
    W1a, W1b, w1d = W1[:, 0:128], W1[:, 128:256], W1[:, 256:257]
    b1 = st("eb1")[:, None, :]
    W2 = st("eW2")
    b2 = st("eb2")[:, None, :]
    pW1 = st("pW1")
    pb1 = st("pb1")[:, None, :]
    pW2c = st("pW2")
    pb2 = jnp.stack([jnp.broadcast_to(p["pb2"][None, :], (1, 128))
                     for p in params])
    nW1 = st("nW1")
    nW1a, nW1b = nW1[:, 0:128], nW1[:, 128:256]
    nb1 = st("nb1")[:, None, :]
    nW2 = st("nW2")
    nb2 = st("nb2")[:, None, :]

    out_p = pl.pallas_call(
        _egnn_kernel,
        grid=(_B,),
        in_specs=[
            pl.BlockSpec((1, 1, _P), lambda i: (i, 0, 0)),
            pl.BlockSpec((1, _P, 3), lambda i: (i, 0, 0)),
            pl.BlockSpec((1, _P, 1), lambda i: (i, 0, 0)),
            pl.BlockSpec((1, 1, _P), lambda i: (i, 0, 0)),
            pl.BlockSpec((1, _P, 1), lambda i: (i, 0, 0)),
            _full((128, 128)),
            _full(W1a.shape), _full(W1b.shape), _full(w1d.shape),
            _full(b1.shape), _full(W2.shape), _full(b2.shape),
            _full(pW1.shape), _full(pb1.shape), _full(pW2c.shape),
            _full(pb2.shape),
            _full(nW1a.shape), _full(nW1b.shape), _full(nb1.shape),
            _full(nW2.shape), _full(nb2.shape),
        ],
        out_specs=pl.BlockSpec((1, _P, 3), lambda i: (i, 0, 0)),
        out_shape=jax.ShapeDtypeStruct((_B, _P, 3), jnp.float32),
        scratch_shapes=[
            pltpu.VMEM((128, 128), jnp.float32),
            pltpu.VMEM((128, 3), jnp.float32),
            pltpu.VMEM((128, 128), jnp.float32),
            pltpu.VMEM((128, 1), jnp.float32),
            pltpu.VMEM((128, 128), jnp.float32),
            pltpu.VMEM((128, 1), jnp.float32),
            pltpu.VMEM((128, 3), jnp.float32),
            pltpu.VMEM((128, 128), jnp.float32),
            pltpu.VMEM((128, 128), jnp.float32),
            pltpu.VMEM((128, 128), jnp.float32),
        ],
        compiler_params=pltpu.CompilerParams(
            dimension_semantics=("arbitrary",)),
    )(zp, xp, sidc, sidr, qp1, emb_p, W1a, W1b, w1d, b1, W2, b2,
      pW1, pb1, pW2c, pb2, nW1a, nW1b, nb1, nW2, nb2)

    return out_p.reshape(_B * _P, 3)[inv]

# --- scband reference (transcript-rebuilt; emitter-appended) ---
"""Pipeline reference for scband-denoise-48507360641327 (READ-ONLY COPY).

The authoritative reference and input builder live on the scoring server;
editing this copy changes nothing except your own understanding.
"""

import jax, jax.numpy as jnp
import numpy as np

FEATURES = 128
MESSAGE = 128
LAYERS = 3
Z_MAX = 100
KNN = 16
N_STRUCT = 128


def _init_linear(key, fan_in, fan_out):
    k1, k2 = jax.random.split(key)
    bound = 1.0 / np.sqrt(fan_in)
    W = jax.random.uniform(k1, (fan_in, fan_out), minval=-bound, maxval=bound, dtype=jnp.float32)
    b = jax.random.uniform(k2, (fan_out,), minval=-bound, maxval=bound, dtype=jnp.float32)
    return W, b


def setup_inputs(seed: int = 0):
    key = jax.random.key(seed)
    ks = jax.random.split(key, 5)
    num_atoms = jnp.arange(N_STRUCT)
    n = int(np.arange(N_STRUCT).sum())  # 8128
    x = jax.random.normal(ks[0], (n, 3), dtype=jnp.float32)
    z = jax.random.randint(ks[1], (n,), 0, Z_MAX)
    edges = jax.random.randint(ks[2], (2, n * KNN), 0, n)
    emb = jax.random.normal(ks[3], (Z_MAX, FEATURES), dtype=jnp.float32)
    params = []
    pk = ks[4]
    for _ in range(LAYERS):
        pk, a, b_, c, d, e, f = jax.random.split(pk, 7)
        eW1, eb1 = _init_linear(a, 2 * FEATURES + 1, FEATURES)
        eW2, eb2 = _init_linear(b_, FEATURES, MESSAGE)
        pW1, pb1 = _init_linear(c, MESSAGE, MESSAGE)
        pW2, pb2 = _init_linear(d, MESSAGE, 1)
        nW1, nb1 = _init_linear(e, FEATURES + MESSAGE, FEATURES)
        nW2, nb2 = _init_linear(f, FEATURES, FEATURES)
        params.append({"eW1": eW1, "eb1": eb1, "eW2": eW2, "eb2": eb2, "pW1": pW1, "pb1": pb1, "pW2": pW2, "pb2": pb2, "nW1": nW1, "nb1": nb1, "nW2": nW2, "nb2": nb2})
    return {"x": x, "z": z, "num_atoms": num_atoms, "edges": edges, "emb": emb, "params": params}


def _get_edges(x, sizes, knn):
    # sparse_meshgrid: per-structure all-pairs index grid
    i_parts, j_parts = [], []
    off = 0
    for na in sizes.tolist():
        na = int(na)
        idx = off + np.arange(na, dtype=np.int64)
        i_parts.append(np.repeat(idx, na))
        j_parts.append(np.tile(idx, na))
        off += na
    i = np.concatenate(i_parts)
    j = np.concatenate(j_parts)
    m = i != j
    i, j = i[m], j[m]
    d = jnp.linalg.norm(x[jnp.asarray(i)] - x[jnp.asarray(j)], axis=1)
    order = jnp.argsort(d, stable=True)
    d = d[order]
    i = jnp.asarray(i)[order]
    j = jnp.asarray(j)[order]
    order = jnp.argsort(i, stable=True)
    d, i, j = d[order], i[order], j[order]
    counts = np.concatenate([np.full(int(na), int(na) - 1, dtype=np.int64) for na in sizes.tolist() if int(na) >= 2])
    idx = np.concatenate(([0], np.cumsum(counts)))
    k_th = np.minimum(idx[:-1] + knn, idx[1:] - 1)
    q = np.minimum(knn, counts - 1)
    sel = np.concatenate([idx[g] + np.arange(int(q[g]), dtype=np.int64) for g in range(len(counts))])
    thr_idx = np.repeat(k_th, q)
    mask = d[sel] < d[thr_idx]
    return i[sel], j[sel], mask


def _symmetrize(i, j, mask, n):
    lo = jnp.minimum(i, j)
    hi = jnp.maximum(i, j)
    sentinel = n * n
    key = jnp.where(mask, lo * n + hi, sentinel)
    key = jnp.sort(key)
    um = key != sentinel
    um = um & jnp.concatenate((jnp.ones((1,), dtype=bool), key[1:] != key[:-1]))
    ki = jnp.where(um, key // n, 0)
    kj = jnp.where(um, key % n, 0)
    e0 = jnp.concatenate((ki, kj))
    e1 = jnp.concatenate((kj, ki))
    em = jnp.concatenate((um, um))
    return e0, e1, em


def _egnn_forward(x, h, e0, e1, emask, params, n):
    mcol = emask.astype(jnp.float32)[:, None]
    for p in params:
        d_ij = jnp.linalg.norm(x[e0] - x[e1], axis=1)[:, None]
        inp = jnp.concatenate((h[e0], h[e1], d_ij), axis=1)
        m_ij = jax.nn.silu(jax.nn.silu(inp @ p["eW1"] + p["eb1"]) @ p["eW2"] + p["eb2"])
        w_ij = jax.nn.silu(m_ij @ p["pW1"] + p["pb1"]) @ p["pW2"] + p["pb2"]
        x_ij = (x[e1] - x[e0]) * w_ij * mcol
        cnt = jnp.maximum(jax.ops.segment_sum(mcol[:, 0], e0, num_segments=n), 1.0)[:, None]
        x_new = x + jax.ops.segment_sum(x_ij, e0, num_segments=n) / cnt
        m_i = jax.ops.segment_sum(m_ij * mcol, e0, num_segments=n) / cnt
        h = h + (jax.nn.silu(jnp.concatenate((h, m_i), axis=1) @ p["nW1"] + p["nb1"]) @ p["nW2"] + p["nb2"])
        x = x_new
    return x


def reference(x, z, num_atoms, edges, emb, params):
    n = x.shape[0]
    sizes = np.arange(num_atoms.shape[0])
    ei, ej, em = _get_edges(x, sizes, KNN)
    e0, e1, emask = _symmetrize(ei, ej, em, n)
    h = emb[z]
    return _egnn_forward(x, h, e0, e1, emask, params, n)

if __name__ == "__main__":
    import jax
    _d = setup_inputs()
    print(jax.jit(kernel)(*tuple(_d.values())))

</pallas_src>

<mosaic_0001>
module attributes {stable_mosaic.version = 14 : i64} {
  func.func @_egnn_kernel(%arg0: i32, %arg1: memref<1x1x128xi32, #tpu.memory_space<vmem>>, %arg2: memref<1x128x3xf32, #tpu.memory_space<vmem>>, %arg3: memref<1x128x1xi32, #tpu.memory_space<vmem>>, %arg4: memref<1x1x128xi32, #tpu.memory_space<vmem>>, %arg5: memref<1x128x1xf32, #tpu.memory_space<vmem>>, %arg6: memref<128x128xf32, #tpu.memory_space<vmem>>, %arg7: memref<3x128x128xf32, #tpu.memory_space<vmem>>, %arg8: memref<3x128x128xf32, #tpu.memory_space<vmem>>, %arg9: memref<3x1x128xf32, #tpu.memory_space<vmem>>, %arg10: memref<3x1x128xf32, #tpu.memory_space<vmem>>, %arg11: memref<3x128x128xf32, #tpu.memory_space<vmem>>, %arg12: memref<3x1x128xf32, #tpu.memory_space<vmem>>, %arg13: memref<3x128x128xf32, #tpu.memory_space<vmem>>, %arg14: memref<3x1x128xf32, #tpu.memory_space<vmem>>, %arg15: memref<3x128x1xf32, #tpu.memory_space<vmem>>, %arg16: memref<3x1x128xf32, #tpu.memory_space<vmem>>, %arg17: memref<3x128x128xf32, #tpu.memory_space<vmem>>, %arg18: memref<3x128x128xf32, #tpu.memory_space<vmem>>, %arg19: memref<3x1x128xf32, #tpu.memory_space<vmem>>, %arg20: memref<3x128x128xf32, #tpu.memory_space<vmem>>, %arg21: memref<3x1x128xf32, #tpu.memory_space<vmem>>, %arg22: memref<1x128x3xf32, #tpu.memory_space<vmem>>, %arg23: memref<128x128xf32, #tpu.memory_space<vmem>>, %arg24: memref<128x3xf32, #tpu.memory_space<vmem>>, %arg25: memref<128x128xf32, #tpu.memory_space<vmem>>, %arg26: memref<128x1xf32, #tpu.memory_space<vmem>>, %arg27: memref<128x128xf32, #tpu.memory_space<vmem>>, %arg28: memref<128x1xf32, #tpu.memory_space<vmem>>, %arg29: memref<128x3xf32, #tpu.memory_space<vmem>>, %arg30: memref<128x128xf32, #tpu.memory_space<vmem>>, %arg31: memref<128x128xf32, #tpu.memory_space<vmem>>, %arg32: memref<128x128xf32, #tpu.memory_space<vmem>>) attributes {dimension_semantics = [#tpu.dimension_semantics<arbitrary>], iteration_bounds = array<i64: 64>, scalar_prefetch = 0 : i64, scratch_operands = 10 : i64, tpu.core_type = #tpu.core_type<tc>, window_params = [{transform_indices = @transform_0, window_bounds = array<i64: 1, 1, 128>}, {transform_indices = @transform_1, window_bounds = array<i64: 1, 128, 3>}, {transform_indices = @transform_2, window_bounds = array<i64: 1, 128, 1>}, {transform_indices = @transform_3, window_bounds = array<i64: 1, 1, 128>}, {transform_indices = @transform_4, window_bounds = array<i64: 1, 128, 1>}, {pipeline_mode = #tpu.pipeline_mode<synchronous>, transform_indices = @transform_5, window_bounds = array<i64: 128, 128>}, {pipeline_mode = #tpu.pipeline_mode<synchronous>, transform_indices = @transform_6, window_bounds = array<i64: 3, 128, 128>}, {pipeline_mode = #tpu.pipeline_mode<synchronous>, transform_indices = @transform_7, window_bounds = array<i64: 3, 128, 128>}, {pipeline_mode = #tpu.pipeline_mode<synchronous>, transform_indices = @transform_8, window_bounds = array<i64: 3, 1, 128>}, {pipeline_mode = #tpu.pipeline_mode<synchronous>, transform_indices = @transform_9, window_bounds = array<i64: 3, 1, 128>}, {pipeline_mode = #tpu.pipeline_mode<synchronous>, transform_indices = @transform_10, window_bounds = array<i64: 3, 128, 128>}, {pipeline_mode = #tpu.pipeline_mode<synchronous>, transform_indices = @transform_11, window_bounds = array<i64: 3, 1, 128>}, {pipeline_mode = #tpu.pipeline_mode<synchronous>, transform_indices = @transform_12, window_bounds = array<i64: 3, 128, 128>}, {pipeline_mode = #tpu.pipeline_mode<synchronous>, transform_indices = @transform_13, window_bounds = array<i64: 3, 1, 128>}, {pipeline_mode = #tpu.pipeline_mode<synchronous>, transform_indices = @transform_14, window_bounds = array<i64: 3, 128, 1>}, {pipeline_mode = #tpu.pipeline_mode<synchronous>, transform_indices = @transform_15, window_bounds = array<i64: 3, 1, 128>}, {pipeline_mode = #tpu.pipeline_mode<synchronous>, transform_indices = @transform_16, window_bounds = array<i64: 3, 128, 128>}, {pipeline_mode = #tpu.pipeline_mode<synchronous>, transform_indices = @transform_17, window_bounds = array<i64: 3, 128, 128>}, {pipeline_mode = #tpu.pipeline_mode<synchronous>, transform_indices = @transform_18, window_bounds = array<i64: 3, 1, 128>}, {pipeline_mode = #tpu.pipeline_mode<synchronous>, transform_indices = @transform_19, window_bounds = array<i64: 3, 128, 128>}, {pipeline_mode = #tpu.pipeline_mode<synchronous>, transform_indices = @transform_20, window_bounds = array<i64: 3, 1, 128>}, {transform_indices = @transform_21, window_bounds = array<i64: 1, 128, 3>}]} {
    %get3A = arith.constant 0 : index
    %get3A_0 = arith.constant 0 : index
    %get3A_1 = arith.constant 0 : index
    %get3A_2 = vector.load %arg1[%get3A, %get3A_0, %get3A_1] : memref<1x1x128xi32, #tpu.memory_space<vmem>>, vector<1x1x128xi32>
    %get3A_3 = vector.shape_cast %get3A_2 : vector<1x1x128xi32> to vector<1x128xi32>
    %iota3A = tpu.iota {dimensions = array<i32: 0>} : vector<128x128xi32>
    %eq3A = vector.broadcast %get3A_3 : vector<1x128xi32> to vector<128x128xi32>
    %eq3A_4 = arith.cmpi eq, %iota3A, %eq3A : vector<128x128xi32>
    %convert_element_type3A = arith.extui %eq3A_4 : vector<128x128xi1> to vector<128x128xi32>
    %convert_element_type3A_5 = arith.sitofp %convert_element_type3A : vector<128x128xi32> to vector<128x128xf32>
    %get3A_6 = arith.constant 0 : index
    %get3A_7 = arith.constant 0 : index
    %get3A_8 = vector.load %arg6[%get3A_6, %get3A_7] : memref<128x128xf32, #tpu.memory_space<vmem>>, vector<128x128xf32>
    %dot_general3A = arith.constant dense<0.000000e+00> : vector<128x128xf32>
    %dot_general3A_9 = tpu.matmul %convert_element_type3A_5, %get3A_8, %dot_general3A {dimension_numbers = #tpu.dot_dimension_numbers<[0], [0], [1], [1], [0, 1, 1, 1], [], []>, transpose_lhs_hint = false} : vector<128x128xf32>, vector<128x128xf32>, vector<128x128xf32> -> vector<128x128xf32>
    %swap3A = arith.constant 0 : index
    %swap3A_10 = arith.constant 0 : index
    %swap3A_11 = vector.load %arg23[%swap3A, %swap3A_10] : memref<128x128xf32, #tpu.memory_space<vmem>>, vector<128x128xf32>
    tpu.vector_store %arg23[%swap3A, %swap3A_10], %dot_general3A_9 {strides = array<i32>} : memref<128x128xf32, #tpu.memory_space<vmem>>, vector<128x128xf32>,
    %get3A_12 = arith.constant 0 : index
    %get3A_13 = arith.constant 0 : index
    %get3A_14 = arith.constant 0 : index
    %get3A_15 = vector.load %arg2[%get3A_12, %get3A_13, %get3A_14] : memref<1x128x3xf32, #tpu.memory_space<vmem>>, vector<1x128x3xf32>
    %get3A_16 = vector.shape_cast %get3A_15 : vector<1x128x3xf32> to vector<128x3xf32>
    %swap3A_17 = arith.constant 0 : index
    %swap3A_18 = arith.constant 0 : index
    %swap3A_19 = vector.load %arg24[%swap3A_17, %swap3A_18] : memref<128x3xf32, #tpu.memory_space<vmem>>, vector<128x3xf32>
    tpu.vector_store %arg24[%swap3A_17, %swap3A_18], %get3A_16 {strides = array<i32>} : memref<128x3xf32, #tpu.memory_space<vmem>>, vector<128x3xf32>,
    %get3A_20 = arith.constant 0 : index
    %get3A_21 = arith.constant 0 : index
    %get3A_22 = arith.constant 0 : index
    %get3A_23 = vector.load %arg3[%get3A_20, %get3A_21, %get3A_22] : memref<1x128x1xi32, #tpu.memory_space<vmem>>, vector<1x128x1xi32>
    %get3A_24 = vector.shape_cast %get3A_23 : vector<1x128x1xi32> to vector<128x1xi32>
    %get3A_25 = arith.constant 0 : index
    %get3A_26 = arith.constant 0 : index
    %get3A_27 = arith.constant 0 : index
    %get3A_28 = vector.load %arg4[%get3A_25, %get3A_26, %get3A_27] : memref<1x1x128xi32, #tpu.memory_space<vmem>>, vector<1x1x128xi32>
    %get3A_29 = vector.shape_cast %get3A_28 : vector<1x1x128xi32> to vector<1x128xi32>
    %iota3A_30 = tpu.iota {dimensions = array<i32: 0>} : vector<128x128xi32>
    %iota3A_31 = tpu.iota {dimensions = array<i32: 1>} : vector<128x128xi32>
    %eq3A_32 = vector.broadcast %get3A_24 : vector<128x1xi32> to vector<128x128xi32>
    %eq3A_33 = vector.broadcast %get3A_29 : vector<1x128xi32> to vector<128x128xi32>
    %eq3A_34 = arith.cmpi eq, %eq3A_32, %eq3A_33 : vector<128x128xi32>
    %ge3A = arith.constant 0 : i32
    %ge3A_35 = vector.broadcast %ge3A : i32 to vector<128x1xi32>
    %ge3A_36 = arith.cmpi sge, %get3A_24, %ge3A_35 : vector<128x1xi32>
    %and3A = vector.broadcast %ge3A_36 : vector<128x1xi1> to vector<128x128xi1>
    %and3A_37 = arith.andi %eq3A_34, %and3A : vector<128x128xi1>
    %ne3A = arith.cmpi ne, %iota3A_30, %iota3A_31 : vector<128x128xi32>
    %and3A_38 = arith.andi %and3A_37, %ne3A : vector<128x128xi1>
    %get3A_39 = arith.constant 0 : index
    %get3A_40 = arith.constant 0 : index
    %get3A_41 = vector.load %arg24[%get3A_39, %get3A_40] : memref<128x3xf32, #tpu.memory_space<vmem>>, vector<128x3xf32>
    %iota3A_42 = tpu.iota {dimensions = array<i32: 0>} : vector<128x128xi32>
    %iota3A_43 = tpu.iota {dimensions = array<i32: 1>} : vector<128x128xi32>
    %add3A = arith.constant 0 : i32
    %add3A_44 = vector.broadcast %add3A : i32 to vector<128x128xi32>
    %add3A_45 = arith.addi %iota3A_42, %add3A_44 : vector<128x128xi32>
    %eq3A_46 = arith.cmpi eq, %add3A_45, %iota3A_43 : vector<128x128xi32>
    %convert_element_type3A_47 = arith.extui %eq3A_46 : vector<128x128xi1> to vector<128x128xi32>
    %convert_element_type3A_48 = arith.sitofp %convert_element_type3A_47 : vector<128x128xi32> to vector<128x128xf32>
    %dot_general3A_49 = arith.constant dense<0.000000e+00> : vector<3x128xf32>
    %dot_general3A_50 = tpu.matmul %get3A_41, %convert_element_type3A_48, %dot_general3A_49 {dimension_numbers = #tpu.dot_dimension_numbers<[0], [0], [1], [1], [0, 1, 1, 1], [], []>, transpose_lhs_hint = false} : vector<128x3xf32>, vector<128x128xf32>, vector<3x128xf32> -> vector<3x128xf32>
    %slice3A = vector.extract_strided_slice %get3A_41 {offsets = [0, 0], sizes = [128, 1], strides = [1, 1]} : vector<128x3xf32> to vector<128x1xf32>
    %slice3A_51 = vector.extract_strided_slice %dot_general3A_50 {offsets = [0, 0], sizes = [1, 128], strides = [1, 1]} : vector<3x128xf32> to vector<1x128xf32>
    %sub3A = vector.broadcast %slice3A : vector<128x1xf32> to vector<128x128xf32>
    %sub3A_52 = vector.broadcast %slice3A_51 : vector<1x128xf32> to vector<128x128xf32>
    %sub3A_53 = arith.subf %sub3A, %sub3A_52 : vector<128x128xf32>
    %mul3A = arith.mulf %sub3A_53, %sub3A_53 : vector<128x128xf32>
    %slice3A_54 = vector.extract_strided_slice %get3A_41 {offsets = [0, 1], sizes = [128, 1], strides = [1, 1]} : vector<128x3xf32> to vector<128x1xf32>
    %slice3A_55 = vector.extract_strided_slice %dot_general3A_50 {offsets = [1, 0], sizes = [1, 128], strides = [1, 1]} : vector<3x128xf32> to vector<1x128xf32>
    %sub3A_56 = vector.broadcast %slice3A_54 : vector<128x1xf32> to vector<128x128xf32>
    %sub3A_57 = vector.broadcast %slice3A_55 : vector<1x128xf32> to vector<128x128xf32>
    %sub3A_58 = arith.subf %sub3A_56, %sub3A_57 : vector<128x128xf32>
    %mul3A_59 = arith.mulf %sub3A_58, %sub3A_58 : vector<128x128xf32>
    %add3A_60 = arith.addf %mul3A, %mul3A_59 : vector<128x128xf32>
    %slice3A_61 = vector.extract_strided_slice %get3A_41 {offsets = [0, 2], sizes = [128, 1], strides = [1, 1]} : vector<128x3xf32> to vector<128x1xf32>
    %slice3A_62 = vector.extract_strided_slice %dot_general3A_50 {offsets = [2, 0], sizes = [1, 128], strides = [1, 1]} : vector<3x128xf32> to vector<1x128xf32>
    %sub3A_63 = vector.broadcast %slice3A_61 : vector<128x1xf32> to vector<128x128xf32>
    %sub3A_64 = vector.broadcast %slice3A_62 : vector<1x128xf32> to vector<128x128xf32>
    %sub3A_65 = arith.subf %sub3A_63, %sub3A_64 : vector<128x128xf32>
    %mul3A_66 = arith.mulf %sub3A_65, %sub3A_65 : vector<128x128xf32>
    %add3A_67 = arith.addf %add3A_60, %mul3A_66 : vector<128x128xf32>
    %sqrt3A = math.sqrt %add3A_67 : vector<128x128xf32>
    %swap3A_68 = arith.constant 0 : index
    %swap3A_69 = arith.constant 0 : index
    %swap3A_70 = vector.load %arg25[%swap3A_68, %swap3A_69] : memref<128x128xf32, #tpu.memory_space<vmem>>, vector<128x128xf32>
    tpu.vector_store %arg25[%swap3A_68, %swap3A_69], %sqrt3A {strides = array<i32>} : memref<128x128xf32, #tpu.memory_space<vmem>>, vector<128x128xf32>,
    %get3A_71 = arith.constant 0 : index
    %get3A_72 = arith.constant 0 : index
    %get3A_73 = vector.load %arg25[%get3A_71, %get3A_72] : memref<128x128xf32, #tpu.memory_space<vmem>>, vector<128x128xf32>
    %jit3A = arith.constant 0x7F800000 : f32
    %broadcast_in_dim3A = vector.broadcast %jit3A : f32 to vector<128x128xf32>
    %select_n3A = arith.select %and3A_38, %get3A_73, %broadcast_in_dim3A : vector<128x128xi1>, vector<128x128xf32>
    %swap3A_74 = arith.constant 0 : index
    %swap3A_75 = arith.constant 0 : index
    %swap3A_76 = vector.load %arg31[%swap3A_74, %swap3A_75] : memref<128x128xf32, #tpu.memory_space<vmem>>, vector<128x128xf32>
    tpu.vector_store %arg31[%swap3A_74, %swap3A_75], %select_n3A {strides = array<i32>} : memref<128x128xf32, #tpu.memory_space<vmem>>, vector<128x128xf32>,
    %scan3A = arith.constant 0 : i32
    %scan3A_77 = arith.constant 8 : i32
    %scan3A_78 = arith.addi %scan3A, %scan3A_77 : i32
    %scan3A_79 = arith.constant 1 : i32
    scf.for %scan3A_635 = %scan3A to %scan3A_78 step %scan3A_79  : i32 {
      %mul3A_636 = arith.constant 2 : i32
      %mul3A_637 = arith.muli %scan3A_635, %mul3A_636 : i32
      %mul3A_638 = arith.constant 8 : i32
      %mul3A_639 = arith.muli %mul3A_637, %mul3A_638 : i32
      %get3A_640 = arith.index_cast %mul3A_639 : i32 to index
      %get3A_641 = arith.constant 0 : index
      %get3A_642 = vector.load %arg31[%get3A_640, %get3A_641] : memref<128x128xf32, #tpu.memory_space<vmem>>, vector<8x128xf32>
      %get3A_643 = arith.constant 0 : index
      %get3A_644 = arith.index_cast %mul3A_639 : i32 to index
      %get3A_645 = arith.constant 0 : index
      %get3A_646 = vector.load %arg5[%get3A_643, %get3A_644, %get3A_645] : memref<1x128x1xf32, #tpu.memory_space<vmem>>, vector<1x8x1xf32>
      %get3A_647 = vector.shape_cast %get3A_646 : vector<1x8x1xf32> to vector<8x1xf32>
      %broadcast_in_dim3A_648 = vector.shape_cast %get3A_642 : vector<8x128xf32> to vector<8x1x128xf32>
      %broadcast_in_dim3A_649 = vector.shape_cast %get3A_642 : vector<8x128xf32> to vector<8x128x1xf32>
      %le3A = vector.broadcast %broadcast_in_dim3A_648 : vector<8x1x128xf32> to vector<8x128x128xf32>
      %le3A_650 = vector.broadcast %broadcast_in_dim3A_649 : vector<8x128x1xf32> to vector<8x128x128xf32>
      %le3A_651 = arith.cmpf ole, %le3A, %le3A_650 : vector<8x128x128xf32>
      %convert_element_type3A_652 = arith.extui %le3A_651 : vector<8x128x128xi1> to vector<8x128x128xi32>
      %convert_element_type3A_653 = arith.sitofp %convert_element_type3A_652 : vector<8x128x128xi32> to vector<8x128x128xf32>
      %reduce_sum3A_654 = arith.constant dense<0.000000e+00> : vector<8x128xf32>
      %reduce_sum3A_655 = vector.multi_reduction <add>, %convert_element_type3A_653, %reduce_sum3A_654 [2] : vector<8x128x128xf32> to vector<8x128xf32>
      %ge3A_656 = vector.broadcast %get3A_647 : vector<8x1xf32> to vector<8x128xf32>
      %ge3A_657 = arith.cmpf oge, %reduce_sum3A_655, %ge3A_656 : vector<8x128xf32>
      %jit3A_658 = arith.constant 0x7F800000 : f32
      %broadcast_in_dim3A_659 = vector.broadcast %jit3A_658 : f32 to vector<8x128xf32>
      %select_n3A_660 = arith.select %ge3A_657, %get3A_642, %broadcast_in_dim3A_659 : vector<8x128xi1>, vector<8x128xf32>
      %reduce_min3A = arith.constant dense<0x7F800000> : vector<8xf32>
      %reduce_min3A_661 = vector.multi_reduction <minimumf>, %select_n3A_660, %reduce_min3A [1] : vector<8x128xf32> to vector<8xf32>
      %broadcast_in_dim3A_662 = vector.shape_cast %reduce_min3A_661 : vector<8xf32> to vector<8x1xf32>
      %swap3A_663 = arith.index_cast %mul3A_639 : i32 to index
      %swap3A_664 = arith.constant 0 : index
      %swap3A_665 = vector.load %arg26[%swap3A_663, %swap3A_664] : memref<128x1xf32, #tpu.memory_space<vmem>>, vector<8x1xf32>
      tpu.vector_store %arg26[%swap3A_663, %swap3A_664], %broadcast_in_dim3A_662 {strides = array<i32>} : memref<128x1xf32, #tpu.memory_space<vmem>>, vector<8x1xf32>,
      %mul3A_666 = arith.constant 2 : i32
      %mul3A_667 = arith.muli %scan3A_635, %mul3A_666 : i32
      %add3A_668 = arith.constant 1 : i32
      %add3A_669 = arith.addi %mul3A_667, %add3A_668 : i32
      %mul3A_670 = arith.constant 8 : i32
      %mul3A_671 = arith.muli %add3A_669, %mul3A_670 : i32
      %get3A_672 = arith.index_cast %mul3A_671 : i32 to index
      %get3A_673 = arith.constant 0 : index
      %get3A_674 = vector.load %arg31[%get3A_672, %get3A_673] : memref<128x128xf32, #tpu.memory_space<vmem>>, vector<8x128xf32>
      %get3A_675 = arith.constant 0 : index
      %get3A_676 = arith.index_cast %mul3A_671 : i32 to index
      %get3A_677 = arith.constant 0 : index
      %get3A_678 = vector.load %arg5[%get3A_675, %get3A_676, %get3A_677] : memref<1x128x1xf32, #tpu.memory_space<vmem>>, vector<1x8x1xf32>
      %get3A_679 = vector.shape_cast %get3A_678 : vector<1x8x1xf32> to vector<8x1xf32>
      %broadcast_in_dim3A_680 = vector.shape_cast %get3A_674 : vector<8x128xf32> to vector<8x1x128xf32>
      %broadcast_in_dim3A_681 = vector.shape_cast %get3A_674 : vector<8x128xf32> to vector<8x128x1xf32>
      %le3A_682 = vector.broadcast %broadcast_in_dim3A_680 : vector<8x1x128xf32> to vector<8x128x128xf32>
      %le3A_683 = vector.broadcast %broadcast_in_dim3A_681 : vector<8x128x1xf32> to vector<8x128x128xf32>
      %le3A_684 = arith.cmpf ole, %le3A_682, %le3A_683 : vector<8x128x128xf32>
      %convert_element_type3A_685 = arith.extui %le3A_684 : vector<8x128x128xi1> to vector<8x128x128xi32>
      %convert_element_type3A_686 = arith.sitofp %convert_element_type3A_685 : vector<8x128x128xi32> to vector<8x128x128xf32>
      %reduce_sum3A_687 = arith.constant dense<0.000000e+00> : vector<8x128xf32>
      %reduce_sum3A_688 = vector.multi_reduction <add>, %convert_element_type3A_686, %reduce_sum3A_687 [2] : vector<8x128x128xf32> to vector<8x128xf32>
      %ge3A_689 = vector.broadcast %get3A_679 : vector<8x1xf32> to vector<8x128xf32>
      %ge3A_690 = arith.cmpf oge, %reduce_sum3A_688, %ge3A_689 : vector<8x128xf32>
      %jit3A_691 = arith.constant 0x7F800000 : f32
      %broadcast_in_dim3A_692 = vector.broadcast %jit3A_691 : f32 to vector<8x128xf32>
      %select_n3A_693 = arith.select %ge3A_690, %get3A_674, %broadcast_in_dim3A_692 : vector<8x128xi1>, vector<8x128xf32>
      %reduce_min3A_694 = arith.constant dense<0x7F800000> : vector<8xf32>
      %reduce_min3A_695 = vector.multi_reduction <minimumf>, %select_n3A_693, %reduce_min3A_694 [1] : vector<8x128xf32> to vector<8xf32>
      %broadcast_in_dim3A_696 = vector.shape_cast %reduce_min3A_695 : vector<8xf32> to vector<8x1xf32>
      %swap3A_697 = arith.index_cast %mul3A_671 : i32 to index
      %swap3A_698 = arith.constant 0 : index
      %swap3A_699 = vector.load %arg26[%swap3A_697, %swap3A_698] : memref<128x1xf32, #tpu.memory_space<vmem>>, vector<8x1xf32>
      tpu.vector_store %arg26[%swap3A_697, %swap3A_698], %broadcast_in_dim3A_696 {strides = array<i32>} : memref<128x1xf32, #tpu.memory_space<vmem>>, vector<8x1xf32>,
    }
    %scan3A_80 = arith.constant 8 : i32
    %get3A_81 = arith.constant 0 : index
    %get3A_82 = arith.constant 0 : index
    %get3A_83 = vector.load %arg25[%get3A_81, %get3A_82] : memref<128x128xf32, #tpu.memory_space<vmem>>, vector<128x128xf32>
    %get3A_84 = arith.constant 0 : index
    %get3A_85 = arith.constant 0 : index
    %get3A_86 = vector.load %arg26[%get3A_84, %get3A_85] : memref<128x1xf32, #tpu.memory_space<vmem>>, vector<128x1xf32>
    %lt3A = vector.broadcast %get3A_86 : vector<128x1xf32> to vector<128x128xf32>
    %lt3A_87 = arith.cmpf olt, %get3A_83, %lt3A : vector<128x128xf32>
    %and3A_88 = arith.andi %lt3A_87, %and3A_38 : vector<128x128xi1>
    %jit3A_89 = arith.constant 1.000000e+00 : f32
    %jit3A_90 = arith.constant 0.000000e+00 : f32
    %broadcast_in_dim3A_91 = vector.broadcast %jit3A_89 : f32 to vector<128x128xf32>
    %broadcast_in_dim3A_92 = vector.broadcast %jit3A_90 : f32 to vector<128x128xf32>
    %select_n3A_93 = arith.select %and3A_88, %broadcast_in_dim3A_91, %broadcast_in_dim3A_92 : vector<128x128xi1>, vector<128x128xf32>
    %iota3A_94 = tpu.iota {dimensions = array<i32: 0>} : vector<128x128xi32>
    %iota3A_95 = tpu.iota {dimensions = array<i32: 1>} : vector<128x128xi32>
    %add3A_96 = arith.constant 0 : i32
    %add3A_97 = vector.broadcast %add3A_96 : i32 to vector<128x128xi32>
    %add3A_98 = arith.addi %iota3A_94, %add3A_97 : vector<128x128xi32>
    %eq3A_99 = arith.cmpi eq, %add3A_98, %iota3A_95 : vector<128x128xi32>
    %convert_element_type3A_100 = arith.extui %eq3A_99 : vector<128x128xi1> to vector<128x128xi32>
    %convert_element_type3A_101 = arith.sitofp %convert_element_type3A_100 : vector<128x128xi32> to vector<128x128xf32>
    %dot_general3A_102 = arith.constant dense<0.000000e+00> : vector<128x128xf32>
    %dot_general3A_103 = tpu.matmul %select_n3A_93, %convert_element_type3A_101, %dot_general3A_102 {dimension_numbers = #tpu.dot_dimension_numbers<[0], [0], [1], [1], [0, 1, 1, 1], [], []>, transpose_lhs_hint = false} : vector<128x128xf32>, vector<128x128xf32>, vector<128x128xf32> -> vector<128x128xf32>
    %add3A_104 = arith.addf %select_n3A_93, %dot_general3A_103 : vector<128x128xf32>
    %min3A = arith.constant 1.000000e+00 : f32
    %min3A_105 = vector.broadcast %min3A : f32 to vector<128x128xf32>
    %min3A_106 = arith.minimumf %add3A_104, %min3A_105 : vector<128x128xf32>
    %swap3A_107 = arith.constant 0 : index
    %swap3A_108 = arith.constant 0 : index
    %swap3A_109 = vector.load %arg27[%swap3A_107, %swap3A_108] : memref<128x128xf32, #tpu.memory_space<vmem>>, vector<128x128xf32>
    tpu.vector_store %arg27[%swap3A_107, %swap3A_108], %min3A_106 {strides = array<i32>} : memref<128x128xf32, #tpu.memory_space<vmem>>, vector<128x128xf32>,
    %reduce_sum3A = arith.constant dense<0.000000e+00> : vector<128xf32>
    %reduce_sum3A_110 = vector.multi_reduction <add>, %min3A_106, %reduce_sum3A [1] : vector<128x128xf32> to vector<128xf32>
    %broadcast_in_dim3A_111 = vector.shape_cast %reduce_sum3A_110 : vector<128xf32> to vector<128x1xf32>
    %max3A = arith.constant 1.000000e+00 : f32
    %max3A_112 = vector.broadcast %max3A : f32 to vector<128x1xf32>
    %max3A_113 = arith.maximumf %broadcast_in_dim3A_111, %max3A_112 : vector<128x1xf32>
    %swap3A_114 = arith.constant 0 : index
    %swap3A_115 = arith.constant 0 : index
    %swap3A_116 = vector.load %arg28[%swap3A_114, %swap3A_115] : memref<128x1xf32, #tpu.memory_space<vmem>>, vector<128x1xf32>
    tpu.vector_store %arg28[%swap3A_114, %swap3A_115], %max3A_113 {strides = array<i32>} : memref<128x1xf32, #tpu.memory_space<vmem>>, vector<128x1xf32>,
    %get3A_117 = arith.constant 0 : index
    %get3A_118 = arith.constant 0 : index
    %get3A_119 = vector.load %arg23[%get3A_117, %get3A_118] : memref<128x128xf32, #tpu.memory_space<vmem>>, vector<128x128xf32>
    %get3A_120 = arith.constant 0 : index
    %get3A_121 = arith.constant 0 : index
    %get3A_122 = arith.constant 0 : index
    %get3A_123 = vector.load %arg7[%get3A_120, %get3A_121, %get3A_122] : memref<3x128x128xf32, #tpu.memory_space<vmem>>, vector<1x128x128xf32>
    %get3A_124 = vector.shape_cast %get3A_123 : vector<1x128x128xf32> to vector<128x128xf32>
    %dot_general3A_125 = arith.constant dense<0.000000e+00> : vector<128x128xf32>
    %dot_general3A_126 = tpu.matmul %get3A_119, %get3A_124, %dot_general3A_125 {dimension_numbers = #tpu.dot_dimension_numbers<[1], [0], [0], [1], [0, 0, 1, 1], [], []>, transpose_lhs_hint = false} : vector<128x128xf32>, vector<128x128xf32>, vector<128x128xf32> -> vector<128x128xf32>
    %get3A_127 = arith.constant 0 : index
    %get3A_128 = arith.constant 0 : index
    %get3A_129 = arith.constant 0 : index
    %get3A_130 = vector.load %arg10[%get3A_127, %get3A_128, %get3A_129] : memref<3x1x128xf32, #tpu.memory_space<vmem>>, vector<1x1x128xf32>
    %get3A_131 = vector.shape_cast %get3A_130 : vector<1x1x128xf32> to vector<1x128xf32>
    %add3A_132 = vector.broadcast %get3A_131 : vector<1x128xf32> to vector<128x128xf32>
    %add3A_133 = arith.addf %dot_general3A_126, %add3A_132 : vector<128x128xf32>
    %swap3A_134 = arith.constant 0 : index
    %swap3A_135 = arith.constant 0 : index
    %swap3A_136 = vector.load %arg32[%swap3A_134, %swap3A_135] : memref<128x128xf32, #tpu.memory_space<vmem>>, vector<128x128xf32>
    tpu.vector_store %arg32[%swap3A_134, %swap3A_135], %add3A_133 {strides = array<i32>} : memref<128x128xf32, #tpu.memory_space<vmem>>, vector<128x128xf32>,
    %get3A_137 = arith.constant 0 : index
    %get3A_138 = arith.constant 0 : index
    %get3A_139 = arith.constant 0 : index
    %get3A_140 = vector.load %arg8[%get3A_137, %get3A_138, %get3A_139] : memref<3x128x128xf32, #tpu.memory_space<vmem>>, vector<1x128x128xf32>
    %get3A_141 = vector.shape_cast %get3A_140 : vector<1x128x128xf32> to vector<128x128xf32>
    %dot_general3A_142 = arith.constant dense<0.000000e+00> : vector<128x128xf32>
    %dot_general3A_143 = tpu.matmul %get3A_119, %get3A_141, %dot_general3A_142 {dimension_numbers = #tpu.dot_dimension_numbers<[1], [0], [0], [1], [0, 0, 1, 1], [], []>, transpose_lhs_hint = false} : vector<128x128xf32>, vector<128x128xf32>, vector<128x128xf32> -> vector<128x128xf32>
    %broadcast_in_dim3A_144 = arith.constant 0.000000e+00 : f32
    %broadcast_in_dim3A_145 = vector.broadcast %broadcast_in_dim3A_144 : f32 to vector<128x3xf32>
    %swap3A_146 = arith.constant 0 : index
    %swap3A_147 = arith.constant 0 : index
    %swap3A_148 = vector.load %arg29[%swap3A_146, %swap3A_147] : memref<128x3xf32, #tpu.memory_space<vmem>>, vector<128x3xf32>
    tpu.vector_store %arg29[%swap3A_146, %swap3A_147], %broadcast_in_dim3A_145 {strides = array<i32>} : memref<128x3xf32, #tpu.memory_space<vmem>>, vector<128x3xf32>,
    %broadcast_in_dim3A_149 = arith.constant 0.000000e+00 : f32
    %broadcast_in_dim3A_150 = vector.broadcast %broadcast_in_dim3A_149 : f32 to vector<128x128xf32>
    %swap3A_151 = arith.constant 0 : index
    %swap3A_152 = arith.constant 0 : index
    %swap3A_153 = vector.load %arg30[%swap3A_151, %swap3A_152] : memref<128x128xf32, #tpu.memory_space<vmem>>, vector<128x128xf32>
    tpu.vector_store %arg30[%swap3A_151, %swap3A_152], %broadcast_in_dim3A_150 {strides = array<i32>} : memref<128x128xf32, #tpu.memory_space<vmem>>, vector<128x128xf32>,
    %get3A_154 = arith.constant 0 : index
    %get3A_155 = arith.constant 0 : index
    %get3A_156 = vector.load %arg24[%get3A_154, %get3A_155] : memref<128x3xf32, #tpu.memory_space<vmem>>, vector<128x3xf32>
    %get3A_157 = arith.constant 0 : index
    %get3A_158 = arith.constant 0 : index
    %get3A_159 = arith.constant 0 : index
    %get3A_160 = vector.load %arg9[%get3A_157, %get3A_158, %get3A_159] : memref<3x1x128xf32, #tpu.memory_space<vmem>>, vector<1x1x128xf32>
    %get3A_161 = vector.shape_cast %get3A_160 : vector<1x1x128xf32> to vector<1x128xf32>
    %broadcast_in_dim3A_162 = vector.shape_cast %get3A_161 : vector<1x128xf32> to vector<1x1x128xf32>
    %get3A_163 = arith.constant 0 : index
    %get3A_164 = arith.constant 0 : index
    %get3A_165 = arith.constant 0 : index
    %get3A_166 = vector.load %arg11[%get3A_163, %get3A_164, %get3A_165] : memref<3x128x128xf32, #tpu.memory_space<vmem>>, vector<1x128x128xf32>
    %get3A_167 = vector.shape_cast %get3A_166 : vector<1x128x128xf32> to vector<128x128xf32>
    %get3A_168 = arith.constant 0 : index
    %get3A_169 = arith.constant 0 : index
    %get3A_170 = arith.constant 0 : index
    %get3A_171 = vector.load %arg12[%get3A_168, %get3A_169, %get3A_170] : memref<3x1x128xf32, #tpu.memory_space<vmem>>, vector<1x1x128xf32>
    %get3A_172 = vector.shape_cast %get3A_171 : vector<1x1x128xf32> to vector<1x128xf32>
    %get3A_173 = arith.constant 0 : index
    %get3A_174 = arith.constant 0 : index
    %get3A_175 = arith.constant 0 : index
    %get3A_176 = vector.load %arg13[%get3A_173, %get3A_174, %get3A_175] : memref<3x128x128xf32, #tpu.memory_space<vmem>>, vector<1x128x128xf32>
    %get3A_177 = vector.shape_cast %get3A_176 : vector<1x128x128xf32> to vector<128x128xf32>
    %get3A_178 = arith.constant 0 : index
    %get3A_179 = arith.constant 0 : index
    %get3A_180 = arith.constant 0 : index
    %get3A_181 = vector.load %arg14[%get3A_178, %get3A_179, %get3A_180] : memref<3x1x128xf32, #tpu.memory_space<vmem>>, vector<1x1x128xf32>
    %get3A_182 = vector.shape_cast %get3A_181 : vector<1x1x128xf32> to vector<1x128xf32>
    %get3A_183 = arith.constant 0 : index
    %get3A_184 = arith.constant 0 : index
    %get3A_185 = arith.constant 0 : index
    %get3A_186 = vector.load %arg15[%get3A_183, %get3A_184, %get3A_185] : memref<3x128x1xf32, #tpu.memory_space<vmem>>, vector<1x128x1xf32>
    %get3A_187 = vector.shape_cast %get3A_186 : vector<1x128x1xf32> to vector<128x1xf32>
    %get3A_188 = arith.constant 0 : index
    %get3A_189 = arith.constant 0 : index
    %get3A_190 = arith.constant 0 : index
    %get3A_191 = vector.load %arg16[%get3A_188, %get3A_189, %get3A_190] : memref<3x1x128xf32, #tpu.memory_space<vmem>>, vector<1x1x128xf32>
    %get3A_192 = vector.shape_cast %get3A_191 : vector<1x1x128xf32> to vector<1x128xf32>
    %slice3A_193 = vector.extract_strided_slice %get3A_192 {offsets = [0, 0], sizes = [1, 1], strides = [1, 1]} : vector<1x128xf32> to vector<1x1xf32>
    %squeeze3A = vector.extract %slice3A_193[0, 0] : f32 from vector<1x1xf32>
    %scan3A_194 = arith.constant 0 : i32
    %scan3A_195 = arith.constant 4 : i32
    %scan3A_196 = arith.addi %scan3A_194, %scan3A_195 : i32
    %scan3A_197 = arith.constant 1 : i32
    scf.for %scan3A_635 = %scan3A_194 to %scan3A_196 step %scan3A_197  : i32 {
      %mul3A_636 = arith.constant 2 : i32
      %mul3A_637 = arith.muli %scan3A_635, %mul3A_636 : i32
      %mul3A_638 = arith.constant 16 : i32
      %mul3A_639 = arith.muli %mul3A_637, %mul3A_638 : i32
      %get3A_640 = arith.index_cast %mul3A_639 : i32 to index
      %get3A_641 = arith.constant 0 : index
      %get3A_642 = vector.load %arg25[%get3A_640, %get3A_641] : memref<128x128xf32, #tpu.memory_space<vmem>>, vector<16x128xf32>
      %get3A_643 = arith.index_cast %mul3A_639 : i32 to index
      %get3A_644 = arith.constant 0 : index
      %get3A_645 = vector.load %arg32[%get3A_643, %get3A_644] : memref<128x128xf32, #tpu.memory_space<vmem>>, vector<16x128xf32>
      %broadcast_in_dim3A_646 = vector.shape_cast %get3A_645 : vector<16x128xf32> to vector<16x1x128xf32>
      %broadcast_in_dim3A_647 = vector.shape_cast %dot_general3A_143 : vector<128x128xf32> to vector<1x128x128xf32>
      %add3A_648 = vector.broadcast %broadcast_in_dim3A_646 : vector<16x1x128xf32> to vector<16x128x128xf32>
      %add3A_649 = vector.broadcast %broadcast_in_dim3A_647 : vector<1x128x128xf32> to vector<16x128x128xf32>
      %add3A_650 = arith.addf %add3A_648, %add3A_649 : vector<16x128x128xf32>
      %broadcast_in_dim3A_651 = vector.shape_cast %get3A_642 : vector<16x128xf32> to vector<16x128x1xf32>
      %mul3A_652 = vector.broadcast %broadcast_in_dim3A_651 : vector<16x128x1xf32> to vector<16x128x128xf32>
      %mul3A_653 = vector.broadcast %broadcast_in_dim3A_162 : vector<1x1x128xf32> to vector<16x128x128xf32>
      %mul3A_654 = arith.mulf %mul3A_652, %mul3A_653 : vector<16x128x128xf32>
      %add3A_655 = arith.addf %add3A_650, %mul3A_654 : vector<16x128x128xf32>
      %mul3A_656 = arith.constant 5.000000e-01 : f32
      %mul3A_657 = vector.broadcast %mul3A_656 : f32 to vector<16x128x128xf32>
      %mul3A_658 = arith.mulf %mul3A_657, %add3A_655 : vector<16x128x128xf32>
      %tanh3A_659 = math.tanh %mul3A_658 : vector<16x128x128xf32>
      %mul3A_660 = arith.mulf %mul3A_658, %tanh3A_659 : vector<16x128x128xf32>
      %add3A_661 = arith.addf %mul3A_658, %mul3A_660 : vector<16x128x128xf32>
      %reshape3A = vector.shape_cast %add3A_661 : vector<16x128x128xf32> to vector<2048x128xf32>
      %dot_general3A_662 = arith.constant dense<0.000000e+00> : vector<2048x128xf32>
      %dot_general3A_663 = tpu.matmul %reshape3A, %get3A_167, %dot_general3A_662 {dimension_numbers = #tpu.dot_dimension_numbers<[1], [0], [0], [1], [0, 0, 1, 1], [], []>, transpose_lhs_hint = false} : vector<2048x128xf32>, vector<128x128xf32>, vector<2048x128xf32> -> vector<2048x128xf32>
      %add3A_664 = vector.broadcast %get3A_172 : vector<1x128xf32> to vector<2048x128xf32>
      %add3A_665 = arith.addf %dot_general3A_663, %add3A_664 : vector<2048x128xf32>
      %mul3A_666 = arith.constant 5.000000e-01 : f32
      %mul3A_667 = vector.broadcast %mul3A_666 : f32 to vector<2048x128xf32>
      %mul3A_668 = arith.mulf %mul3A_667, %add3A_665 : vector<2048x128xf32>
      %tanh3A_669 = math.tanh %mul3A_668 : vector<2048x128xf32>
      %mul3A_670 = arith.mulf %mul3A_668, %tanh3A_669 : vector<2048x128xf32>
      %add3A_671 = arith.addf %mul3A_668, %mul3A_670 : vector<2048x128xf32>
      %dot_general3A_672 = arith.constant dense<0.000000e+00> : vector<2048x128xf32>
      %dot_general3A_673 = tpu.matmul %add3A_671, %get3A_177, %dot_general3A_672 {dimension_numbers = #tpu.dot_dimension_numbers<[1], [0], [0], [1], [0, 0, 1, 1], [], []>, transpose_lhs_hint = false} : vector<2048x128xf32>, vector<128x128xf32>, vector<2048x128xf32> -> vector<2048x128xf32>
      %add3A_674 = vector.broadcast %get3A_182 : vector<1x128xf32> to vector<2048x128xf32>
      %add3A_675 = arith.addf %dot_general3A_673, %add3A_674 : vector<2048x128xf32>
      %mul3A_676 = arith.constant 5.000000e-01 : f32
      %mul3A_677 = vector.broadcast %mul3A_676 : f32 to vector<2048x128xf32>
      %mul3A_678 = arith.mulf %mul3A_677, %add3A_675 : vector<2048x128xf32>
      %tanh3A_679 = math.tanh %mul3A_678 : vector<2048x128xf32>
      %mul3A_680 = arith.mulf %mul3A_678, %tanh3A_679 : vector<2048x128xf32>
      %add3A_681 = arith.addf %mul3A_678, %mul3A_680 : vector<2048x128xf32>
      %dot_general3A_682 = arith.constant dense<0.000000e+00> : vector<2048x1xf32>
      %dot_general3A_683 = tpu.matmul %add3A_681, %get3A_187, %dot_general3A_682 {dimension_numbers = #tpu.dot_dimension_numbers<[1], [0], [0], [1], [0, 0, 1, 1], [], []>, transpose_lhs_hint = false} : vector<2048x128xf32>, vector<128x1xf32>, vector<2048x1xf32> -> vector<2048x1xf32>
      %add3A_684 = vector.broadcast %squeeze3A : f32 to vector<2048x1xf32>
      %add3A_685 = arith.addf %dot_general3A_683, %add3A_684 : vector<2048x1xf32>
      %reshape3A_686 = vector.shape_cast %add3A_685 : vector<2048x1xf32> to vector<16x128xf32>
      %get3A_687 = arith.index_cast %mul3A_639 : i32 to index
      %get3A_688 = arith.constant 0 : index
      %get3A_689 = vector.load %arg27[%get3A_687, %get3A_688] : memref<128x128xf32, #tpu.memory_space<vmem>>, vector<16x128xf32>
      %mul3A_690 = arith.mulf %get3A_689, %reshape3A_686 : vector<16x128xf32>
      %get3A_691 = arith.index_cast %mul3A_639 : i32 to index
      %get3A_692 = arith.constant 0 : index
      %get3A_693 = vector.load %arg24[%get3A_691, %get3A_692] : memref<128x3xf32, #tpu.memory_space<vmem>>, vector<16x3xf32>
      %dot_general3A_694 = arith.constant dense<0.000000e+00> : vector<16x3xf32>
      %dot_general3A_695 = tpu.matmul %mul3A_690, %get3A_156, %dot_general3A_694 {dimension_numbers = #tpu.dot_dimension_numbers<[1], [0], [0], [1], [0, 0, 1, 1], [], []>, transpose_lhs_hint = false} : vector<16x128xf32>, vector<128x3xf32>, vector<16x3xf32> -> vector<16x3xf32>
      %reduce_sum3A_696 = arith.constant dense<0.000000e+00> : vector<16xf32>
      %reduce_sum3A_697 = vector.multi_reduction <add>, %mul3A_690, %reduce_sum3A_696 [1] : vector<16x128xf32> to vector<16xf32>
      %broadcast_in_dim3A_698 = vector.shape_cast %reduce_sum3A_697 : vector<16xf32> to vector<16x1xf32>
      %mul3A_699 = vector.broadcast %broadcast_in_dim3A_698 : vector<16x1xf32> to vector<16x3xf32>
      %mul3A_700 = arith.mulf %mul3A_699, %get3A_693 : vector<16x3xf32>
      %sub3A_701 = arith.subf %dot_general3A_695, %mul3A_700 : vector<16x3xf32>
      %swap3A_702 = arith.index_cast %mul3A_639 : i32 to index
      %swap3A_703 = arith.constant 0 : index
      %swap3A_704 = vector.load %arg29[%swap3A_702, %swap3A_703] : memref<128x3xf32, #tpu.memory_space<vmem>>, vector<16x3xf32>
      tpu.vector_store %arg29[%swap3A_702, %swap3A_703], %sub3A_701 {strides = array<i32>} : memref<128x3xf32, #tpu.memory_space<vmem>>, vector<16x3xf32>,
      %reshape3A_705 = vector.shape_cast %add3A_671 : vector<2048x128xf32> to vector<16x128x128xf32>
      %broadcast_in_dim3A_706 = vector.shape_cast %get3A_689 : vector<16x128xf32> to vector<16x128x1xf32>
      %mul3A_707 = vector.broadcast %broadcast_in_dim3A_706 : vector<16x128x1xf32> to vector<16x128x128xf32>
      %mul3A_708 = arith.mulf %reshape3A_705, %mul3A_707 : vector<16x128x128xf32>
      %reduce_sum3A_709 = arith.constant dense<0.000000e+00> : vector<16x128xf32>
      %reduce_sum3A_710 = vector.multi_reduction <add>, %mul3A_708, %reduce_sum3A_709 [1] : vector<16x128x128xf32> to vector<16x128xf32>
      %swap3A_711 = arith.index_cast %mul3A_639 : i32 to index
      %swap3A_712 = arith.constant 0 : index
      %swap3A_713 = vector.load %arg30[%swap3A_711, %swap3A_712] : memref<128x128xf32, #tpu.memory_space<vmem>>, vector<16x128xf32>
      tpu.vector_store %arg30[%swap3A_711, %swap3A_712], %reduce_sum3A_710 {strides = array<i32>} : memref<128x128xf32, #tpu.memory_space<vmem>>, vector<16x128xf32>,
      %mul3A_714 = arith.constant 2 : i32
      %mul3A_715 = arith.muli %scan3A_635, %mul3A_714 : i32
      %add3A_716 = arith.constant 1 : i32
      %add3A_717 = arith.addi %mul3A_715, %add3A_716 : i32
      %mul3A_718 = arith.constant 16 : i32
      %mul3A_719 = arith.muli %add3A_717, %mul3A_718 : i32
      %get3A_720 = arith.index_cast %mul3A_719 : i32 to index
      %get3A_721 = arith.constant 0 : index
      %get3A_722 = vector.load %arg25[%get3A_720, %get3A_721] : memref<128x128xf32, #tpu.memory_space<vmem>>, vector<16x128xf32>
      %get3A_723 = arith.index_cast %mul3A_719 : i32 to index
      %get3A_724 = arith.constant 0 : index
      %get3A_725 = vector.load %arg32[%get3A_723, %get3A_724] : memref<128x128xf32, #tpu.memory_space<vmem>>, vector<16x128xf32>
      %broadcast_in_dim3A_726 = vector.shape_cast %get3A_725 : vector<16x128xf32> to vector<16x1x128xf32>
      %broadcast_in_dim3A_727 = vector.shape_cast %dot_general3A_143 : vector<128x128xf32> to vector<1x128x128xf32>
      %add3A_728 = vector.broadcast %broadcast_in_dim3A_726 : vector<16x1x128xf32> to vector<16x128x128xf32>
      %add3A_729 = vector.broadcast %broadcast_in_dim3A_727 : vector<1x128x128xf32> to vector<16x128x128xf32>
      %add3A_730 = arith.addf %add3A_728, %add3A_729 : vector<16x128x128xf32>
      %broadcast_in_dim3A_731 = vector.shape_cast %get3A_722 : vector<16x128xf32> to vector<16x128x1xf32>
      %mul3A_732 = vector.broadcast %broadcast_in_dim3A_731 : vector<16x128x1xf32> to vector<16x128x128xf32>
      %mul3A_733 = vector.broadcast %broadcast_in_dim3A_162 : vector<1x1x128xf32> to vector<16x128x128xf32>
      %mul3A_734 = arith.mulf %mul3A_732, %mul3A_733 : vector<16x128x128xf32>
      %add3A_735 = arith.addf %add3A_730, %mul3A_734 : vector<16x128x128xf32>
      %mul3A_736 = arith.constant 5.000000e-01 : f32
      %mul3A_737 = vector.broadcast %mul3A_736 : f32 to vector<16x128x128xf32>
      %mul3A_738 = arith.mulf %mul3A_737, %add3A_735 : vector<16x128x128xf32>
      %tanh3A_739 = math.tanh %mul3A_738 : vector<16x128x128xf32>
      %mul3A_740 = arith.mulf %mul3A_738, %tanh3A_739 : vector<16x128x128xf32>
      %add3A_741 = arith.addf %mul3A_738, %mul3A_740 : vector<16x128x128xf32>
      %reshape3A_742 = vector.shape_cast %add3A_741 : vector<16x128x128xf32> to vector<2048x128xf32>
      %dot_general3A_743 = arith.constant dense<0.000000e+00> : vector<2048x128xf32>
      %dot_general3A_744 = tpu.matmul %reshape3A_742, %get3A_167, %dot_general3A_743 {dimension_numbers = #tpu.dot_dimension_numbers<[1], [0], [0], [1], [0, 0, 1, 1], [], []>, transpose_lhs_hint = false} : vector<2048x128xf32>, vector<128x128xf32>, vector<2048x128xf32> -> vector<2048x128xf32>
      %add3A_745 = vector.broadcast %get3A_172 : vector<1x128xf32> to vector<2048x128xf32>
      %add3A_746 = arith.addf %dot_general3A_744, %add3A_745 : vector<2048x128xf32>
      %mul3A_747 = arith.constant 5.000000e-01 : f32
      %mul3A_748 = vector.broadcast %mul3A_747 : f32 to vector<2048x128xf32>
      %mul3A_749 = arith.mulf %mul3A_748, %add3A_746 : vector<2048x128xf32>
      %tanh3A_750 = math.tanh %mul3A_749 : vector<2048x128xf32>
      %mul3A_751 = arith.mulf %mul3A_749, %tanh3A_750 : vector<2048x128xf32>
      %add3A_752 = arith.addf %mul3A_749, %mul3A_751 : vector<2048x128xf32>
      %dot_general3A_753 = arith.constant dense<0.000000e+00> : vector<2048x128xf32>
      %dot_general3A_754 = tpu.matmul %add3A_752, %get3A_177, %dot_general3A_753 {dimension_numbers = #tpu.dot_dimension_numbers<[1], [0], [0], [1], [0, 0, 1, 1], [], []>, transpose_lhs_hint = false} : vector<2048x128xf32>, vector<128x128xf32>, vector<2048x128xf32> -> vector<2048x128xf32>
      %add3A_755 = vector.broadcast %get3A_182 : vector<1x128xf32> to vector<2048x128xf32>
      %add3A_756 = arith.addf %dot_general3A_754, %add3A_755 : vector<2048x128xf32>
      %mul3A_757 = arith.constant 5.000000e-01 : f32
      %mul3A_758 = vector.broadcast %mul3A_757 : f32 to vector<2048x128xf32>
      %mul3A_759 = arith.mulf %mul3A_758, %add3A_756 : vector<2048x128xf32>
      %tanh3A_760 = math.tanh %mul3A_759 : vector<2048x128xf32>
      %mul3A_761 = arith.mulf %mul3A_759, %tanh3A_760 : vector<2048x128xf32>
      %add3A_762 = arith.addf %mul3A_759, %mul3A_761 : vector<2048x128xf32>
      %dot_general3A_763 = arith.constant dense<0.000000e+00> : vector<2048x1xf32>
      %dot_general3A_764 = tpu.matmul %add3A_762, %get3A_187, %dot_general3A_763 {dimension_numbers = #tpu.dot_dimension_numbers<[1], [0], [0], [1], [0, 0, 1, 1], [], []>, transpose_lhs_hint = false} : vector<2048x128xf32>, vector<128x1xf32>, vector<2048x1xf32> -> vector<2048x1xf32>
      %add3A_765 = vector.broadcast %squeeze3A : f32 to vector<2048x1xf32>
      %add3A_766 = arith.addf %dot_general3A_764, %add3A_765 : vector<2048x1xf32>
      %reshape3A_767 = vector.shape_cast %add3A_766 : vector<2048x1xf32> to vector<16x128xf32>
      %get3A_768 = arith.index_cast %mul3A_719 : i32 to index
      %get3A_769 = arith.constant 0 : index
      %get3A_770 = vector.load %arg27[%get3A_768, %get3A_769] : memref<128x128xf32, #tpu.memory_space<vmem>>, vector<16x128xf32>
      %mul3A_771 = arith.mulf %get3A_770, %reshape3A_767 : vector<16x128xf32>
      %get3A_772 = arith.index_cast %mul3A_719 : i32 to index
      %get3A_773 = arith.constant 0 : index
      %get3A_774 = vector.load %arg24[%get3A_772, %get3A_773] : memref<128x3xf32, #tpu.memory_space<vmem>>, vector<16x3xf32>
      %dot_general3A_775 = arith.constant dense<0.000000e+00> : vector<16x3xf32>
      %dot_general3A_776 = tpu.matmul %mul3A_771, %get3A_156, %dot_general3A_775 {dimension_numbers = #tpu.dot_dimension_numbers<[1], [0], [0], [1], [0, 0, 1, 1], [], []>, transpose_lhs_hint = false} : vector<16x128xf32>, vector<128x3xf32>, vector<16x3xf32> -> vector<16x3xf32>
      %reduce_sum3A_777 = arith.constant dense<0.000000e+00> : vector<16xf32>
      %reduce_sum3A_778 = vector.multi_reduction <add>, %mul3A_771, %reduce_sum3A_777 [1] : vector<16x128xf32> to vector<16xf32>
      %broadcast_in_dim3A_779 = vector.shape_cast %reduce_sum3A_778 : vector<16xf32> to vector<16x1xf32>
      %mul3A_780 = vector.broadcast %broadcast_in_dim3A_779 : vector<16x1xf32> to vector<16x3xf32>
      %mul3A_781 = arith.mulf %mul3A_780, %get3A_774 : vector<16x3xf32>
      %sub3A_782 = arith.subf %dot_general3A_776, %mul3A_781 : vector<16x3xf32>
      %swap3A_783 = arith.index_cast %mul3A_719 : i32 to index
      %swap3A_784 = arith.constant 0 : index
      %swap3A_785 = vector.load %arg29[%swap3A_783, %swap3A_784] : memref<128x3xf32, #tpu.memory_space<vmem>>, vector<16x3xf32>
      tpu.vector_store %arg29[%swap3A_783, %swap3A_784], %sub3A_782 {strides = array<i32>} : memref<128x3xf32, #tpu.memory_space<vmem>>, vector<16x3xf32>,
      %reshape3A_786 = vector.shape_cast %add3A_752 : vector<2048x128xf32> to vector<16x128x128xf32>
      %broadcast_in_dim3A_787 = vector.shape_cast %get3A_770 : vector<16x128xf32> to vector<16x128x1xf32>
      %mul3A_788 = vector.broadcast %broadcast_in_dim3A_787 : vector<16x128x1xf32> to vector<16x128x128xf32>
      %mul3A_789 = arith.mulf %reshape3A_786, %mul3A_788 : vector<16x128x128xf32>
      %reduce_sum3A_790 = arith.constant dense<0.000000e+00> : vector<16x128xf32>
      %reduce_sum3A_791 = vector.multi_reduction <add>, %mul3A_789, %reduce_sum3A_790 [1] : vector<16x128x128xf32> to vector<16x128xf32>
      %swap3A_792 = arith.index_cast %mul3A_719 : i32 to index
      %swap3A_793 = arith.constant 0 : index
      %swap3A_794 = vector.load %arg30[%swap3A_792, %swap3A_793] : memref<128x128xf32, #tpu.memory_space<vmem>>, vector<16x128xf32>
      tpu.vector_store %arg30[%swap3A_792, %swap3A_793], %reduce_sum3A_791 {strides = array<i32>} : memref<128x128xf32, #tpu.memory_space<vmem>>, vector<16x128xf32>,
    }
    %scan3A_198 = arith.constant 4 : i32
    %get3A_199 = arith.constant 0 : index
    %get3A_200 = arith.constant 0 : index
    %get3A_201 = vector.load %arg28[%get3A_199, %get3A_200] : memref<128x1xf32, #tpu.memory_space<vmem>>, vector<128x1xf32>
    %get3A_202 = arith.constant 0 : index
    %get3A_203 = arith.constant 0 : index
    %get3A_204 = vector.load %arg30[%get3A_202, %get3A_203] : memref<128x128xf32, #tpu.memory_space<vmem>>, vector<128x128xf32>
    %div3A = vector.broadcast %get3A_201 : vector<128x1xf32> to vector<128x128xf32>
    %div3A_205 = arith.divf %get3A_204, %div3A : vector<128x128xf32>
    %get3A_206 = arith.constant 0 : index
    %get3A_207 = arith.constant 0 : index
    %get3A_208 = arith.constant 0 : index
    %get3A_209 = vector.load %arg17[%get3A_206, %get3A_207, %get3A_208] : memref<3x128x128xf32, #tpu.memory_space<vmem>>, vector<1x128x128xf32>
    %get3A_210 = vector.shape_cast %get3A_209 : vector<1x128x128xf32> to vector<128x128xf32>
    %dot_general3A_211 = arith.constant dense<0.000000e+00> : vector<128x128xf32>
    %dot_general3A_212 = tpu.matmul %get3A_119, %get3A_210, %dot_general3A_211 {dimension_numbers = #tpu.dot_dimension_numbers<[1], [0], [0], [1], [0, 0, 1, 1], [], []>, transpose_lhs_hint = false} : vector<128x128xf32>, vector<128x128xf32>, vector<128x128xf32> -> vector<128x128xf32>
    %get3A_213 = arith.constant 0 : index
    %get3A_214 = arith.constant 0 : index
    %get3A_215 = arith.constant 0 : index
    %get3A_216 = vector.load %arg18[%get3A_213, %get3A_214, %get3A_215] : memref<3x128x128xf32, #tpu.memory_space<vmem>>, vector<1x128x128xf32>
    %get3A_217 = vector.shape_cast %get3A_216 : vector<1x128x128xf32> to vector<128x128xf32>
    %dot_general3A_218 = arith.constant dense<0.000000e+00> : vector<128x128xf32>
    %dot_general3A_219 = tpu.matmul %div3A_205, %get3A_217, %dot_general3A_218 {dimension_numbers = #tpu.dot_dimension_numbers<[1], [0], [0], [1], [0, 0, 1, 1], [], []>, transpose_lhs_hint = false} : vector<128x128xf32>, vector<128x128xf32>, vector<128x128xf32> -> vector<128x128xf32>
    %add3A_220 = arith.addf %dot_general3A_212, %dot_general3A_219 : vector<128x128xf32>
    %get3A_221 = arith.constant 0 : index
    %get3A_222 = arith.constant 0 : index
    %get3A_223 = arith.constant 0 : index
    %get3A_224 = vector.load %arg19[%get3A_221, %get3A_222, %get3A_223] : memref<3x1x128xf32, #tpu.memory_space<vmem>>, vector<1x1x128xf32>
    %get3A_225 = vector.shape_cast %get3A_224 : vector<1x1x128xf32> to vector<1x128xf32>
    %add3A_226 = vector.broadcast %get3A_225 : vector<1x128xf32> to vector<128x128xf32>
    %add3A_227 = arith.addf %add3A_220, %add3A_226 : vector<128x128xf32>
    %mul3A_228 = arith.constant 5.000000e-01 : f32
    %mul3A_229 = vector.broadcast %mul3A_228 : f32 to vector<128x128xf32>
    %mul3A_230 = arith.mulf %mul3A_229, %add3A_227 : vector<128x128xf32>
    %tanh3A = math.tanh %mul3A_230 : vector<128x128xf32>
    %mul3A_231 = arith.mulf %mul3A_230, %tanh3A : vector<128x128xf32>
    %add3A_232 = arith.addf %mul3A_230, %mul3A_231 : vector<128x128xf32>
    %get3A_233 = arith.constant 0 : index
    %get3A_234 = arith.constant 0 : index
    %get3A_235 = arith.constant 0 : index
    %get3A_236 = vector.load %arg20[%get3A_233, %get3A_234, %get3A_235] : memref<3x128x128xf32, #tpu.memory_space<vmem>>, vector<1x128x128xf32>
    %get3A_237 = vector.shape_cast %get3A_236 : vector<1x128x128xf32> to vector<128x128xf32>
    %dot_general3A_238 = arith.constant dense<0.000000e+00> : vector<128x128xf32>
    %dot_general3A_239 = tpu.matmul %add3A_232, %get3A_237, %dot_general3A_238 {dimension_numbers = #tpu.dot_dimension_numbers<[1], [0], [0], [1], [0, 0, 1, 1], [], []>, transpose_lhs_hint = false} : vector<128x128xf32>, vector<128x128xf32>, vector<128x128xf32> -> vector<128x128xf32>
    %get3A_240 = arith.constant 0 : index
    %get3A_241 = arith.constant 0 : index
    %get3A_242 = arith.constant 0 : index
    %get3A_243 = vector.load %arg21[%get3A_240, %get3A_241, %get3A_242] : memref<3x1x128xf32, #tpu.memory_space<vmem>>, vector<1x1x128xf32>
    %get3A_244 = vector.shape_cast %get3A_243 : vector<1x1x128xf32> to vector<1x128xf32>
    %add3A_245 = vector.broadcast %get3A_244 : vector<1x128xf32> to vector<128x128xf32>
    %add3A_246 = arith.addf %dot_general3A_239, %add3A_245 : vector<128x128xf32>
    %add3A_247 = arith.addf %get3A_119, %add3A_246 : vector<128x128xf32>
    %swap3A_248 = arith.constant 0 : index
    %swap3A_249 = arith.constant 0 : index
    %swap3A_250 = vector.load %arg23[%swap3A_248, %swap3A_249] : memref<128x128xf32, #tpu.memory_space<vmem>>, vector<128x128xf32>
    tpu.vector_store %arg23[%swap3A_248, %swap3A_249], %add3A_247 {strides = array<i32>} : memref<128x128xf32, #tpu.memory_space<vmem>>, vector<128x128xf32>,
    %get3A_251 = arith.constant 0 : index
    %get3A_252 = arith.constant 0 : index
    %get3A_253 = vector.load %arg29[%get3A_251, %get3A_252] : memref<128x3xf32, #tpu.memory_space<vmem>>, vector<128x3xf32>
    %div3A_254 = vector.broadcast %get3A_201 : vector<128x1xf32> to vector<128x3xf32>
    %div3A_255 = arith.divf %get3A_253, %div3A_254 : vector<128x3xf32>
    %add3A_256 = arith.addf %get3A_156, %div3A_255 : vector<128x3xf32>
    %swap3A_257 = arith.constant 0 : index
    %swap3A_258 = arith.constant 0 : index
    %swap3A_259 = vector.load %arg24[%swap3A_257, %swap3A_258] : memref<128x3xf32, #tpu.memory_space<vmem>>, vector<128x3xf32>
    tpu.vector_store %arg24[%swap3A_257, %swap3A_258], %add3A_256 {strides = array<i32>} : memref<128x3xf32, #tpu.memory_space<vmem>>, vector<128x3xf32>,
    %get3A_260 = arith.constant 0 : index
    %get3A_261 = arith.constant 0 : index
    %get3A_262 = vector.load %arg24[%get3A_260, %get3A_261] : memref<128x3xf32, #tpu.memory_space<vmem>>, vector<128x3xf32>
    %iota3A_263 = tpu.iota {dimensions = array<i32: 0>} : vector<128x128xi32>
    %iota3A_264 = tpu.iota {dimensions = array<i32: 1>} : vector<128x128xi32>
    %add3A_265 = arith.constant 0 : i32
    %add3A_266 = vector.broadcast %add3A_265 : i32 to vector<128x128xi32>
    %add3A_267 = arith.addi %iota3A_263, %add3A_266 : vector<128x128xi32>
    %eq3A_268 = arith.cmpi eq, %add3A_267, %iota3A_264 : vector<128x128xi32>
    %convert_element_type3A_269 = arith.extui %eq3A_268 : vector<128x128xi1> to vector<128x128xi32>
    %convert_element_type3A_270 = arith.sitofp %convert_element_type3A_269 : vector<128x128xi32> to vector<128x128xf32>
    %dot_general3A_271 = arith.constant dense<0.000000e+00> : vector<3x128xf32>
    %dot_general3A_272 = tpu.matmul %get3A_262, %convert_element_type3A_270, %dot_general3A_271 {dimension_numbers = #tpu.dot_dimension_numbers<[0], [0], [1], [1], [0, 1, 1, 1], [], []>, transpose_lhs_hint = false} : vector<128x3xf32>, vector<128x128xf32>, vector<3x128xf32> -> vector<3x128xf32>
    %slice3A_273 = vector.extract_strided_slice %get3A_262 {offsets = [0, 0], sizes = [128, 1], strides = [1, 1]} : vector<128x3xf32> to vector<128x1xf32>
    %slice3A_274 = vector.extract_strided_slice %dot_general3A_272 {offsets = [0, 0], sizes = [1, 128], strides = [1, 1]} : vector<3x128xf32> to vector<1x128xf32>
    %sub3A_275 = vector.broadcast %slice3A_273 : vector<128x1xf32> to vector<128x128xf32>
    %sub3A_276 = vector.broadcast %slice3A_274 : vector<1x128xf32> to vector<128x128xf32>
    %sub3A_277 = arith.subf %sub3A_275, %sub3A_276 : vector<128x128xf32>
    %mul3A_278 = arith.mulf %sub3A_277, %sub3A_277 : vector<128x128xf32>
    %slice3A_279 = vector.extract_strided_slice %get3A_262 {offsets = [0, 1], sizes = [128, 1], strides = [1, 1]} : vector<128x3xf32> to vector<128x1xf32>
    %slice3A_280 = vector.extract_strided_slice %dot_general3A_272 {offsets = [1, 0], sizes = [1, 128], strides = [1, 1]} : vector<3x128xf32> to vector<1x128xf32>
    %sub3A_281 = vector.broadcast %slice3A_279 : vector<128x1xf32> to vector<128x128xf32>
    %sub3A_282 = vector.broadcast %slice3A_280 : vector<1x128xf32> to vector<128x128xf32>
    %sub3A_283 = arith.subf %sub3A_281, %sub3A_282 : vector<128x128xf32>
    %mul3A_284 = arith.mulf %sub3A_283, %sub3A_283 : vector<128x128xf32>
    %add3A_285 = arith.addf %mul3A_278, %mul3A_284 : vector<128x128xf32>
    %slice3A_286 = vector.extract_strided_slice %get3A_262 {offsets = [0, 2], sizes = [128, 1], strides = [1, 1]} : vector<128x3xf32> to vector<128x1xf32>
    %slice3A_287 = vector.extract_strided_slice %dot_general3A_272 {offsets = [2, 0], sizes = [1, 128], strides = [1, 1]} : vector<3x128xf32> to vector<1x128xf32>
    %sub3A_288 = vector.broadcast %slice3A_286 : vector<128x1xf32> to vector<128x128xf32>
    %sub3A_289 = vector.broadcast %slice3A_287 : vector<1x128xf32> to vector<128x128xf32>
    %sub3A_290 = arith.subf %sub3A_288, %sub3A_289 : vector<128x128xf32>
    %mul3A_291 = arith.mulf %sub3A_290, %sub3A_290 : vector<128x128xf32>
    %add3A_292 = arith.addf %add3A_285, %mul3A_291 : vector<128x128xf32>
    %sqrt3A_293 = math.sqrt %add3A_292 : vector<128x128xf32>
    %swap3A_294 = arith.constant 0 : index
    %swap3A_295 = arith.constant 0 : index
    %swap3A_296 = vector.load %arg25[%swap3A_294, %swap3A_295] : memref<128x128xf32, #tpu.memory_space<vmem>>, vector<128x128xf32>
    tpu.vector_store %arg25[%swap3A_294, %swap3A_295], %sqrt3A_293 {strides = array<i32>} : memref<128x128xf32, #tpu.memory_space<vmem>>, vector<128x128xf32>,
    %get3A_297 = arith.constant 0 : index
    %get3A_298 = arith.constant 0 : index
    %get3A_299 = vector.load %arg23[%get3A_297, %get3A_298] : memref<128x128xf32, #tpu.memory_space<vmem>>, vector<128x128xf32>
    %get3A_300 = arith.constant 1 : index
    %get3A_301 = arith.constant 0 : index
    %get3A_302 = arith.constant 0 : index
    %get3A_303 = vector.load %arg7[%get3A_300, %get3A_301, %get3A_302] : memref<3x128x128xf32, #tpu.memory_space<vmem>>, vector<1x128x128xf32>
    %get3A_304 = vector.shape_cast %get3A_303 : vector<1x128x128xf32> to vector<128x128xf32>
    %dot_general3A_305 = arith.constant dense<0.000000e+00> : vector<128x128xf32>
    %dot_general3A_306 = tpu.matmul %get3A_299, %get3A_304, %dot_general3A_305 {dimension_numbers = #tpu.dot_dimension_numbers<[1], [0], [0], [1], [0, 0, 1, 1], [], []>, transpose_lhs_hint = false} : vector<128x128xf32>, vector<128x128xf32>, vector<128x128xf32> -> vector<128x128xf32>
    %get3A_307 = arith.constant 1 : index
    %get3A_308 = arith.constant 0 : index
    %get3A_309 = arith.constant 0 : index
    %get3A_310 = vector.load %arg10[%get3A_307, %get3A_308, %get3A_309] : memref<3x1x128xf32, #tpu.memory_space<vmem>>, vector<1x1x128xf32>
    %get3A_311 = vector.shape_cast %get3A_310 : vector<1x1x128xf32> to vector<1x128xf32>
    %add3A_312 = vector.broadcast %get3A_311 : vector<1x128xf32> to vector<128x128xf32>
    %add3A_313 = arith.addf %dot_general3A_306, %add3A_312 : vector<128x128xf32>
    %swap3A_314 = arith.constant 0 : index
    %swap3A_315 = arith.constant 0 : index
    %swap3A_316 = vector.load %arg32[%swap3A_314, %swap3A_315] : memref<128x128xf32, #tpu.memory_space<vmem>>, vector<128x128xf32>
    tpu.vector_store %arg32[%swap3A_314, %swap3A_315], %add3A_313 {strides = array<i32>} : memref<128x128xf32, #tpu.memory_space<vmem>>, vector<128x128xf32>,
    %get3A_317 = arith.constant 1 : index
    %get3A_318 = arith.constant 0 : index
    %get3A_319 = arith.constant 0 : index
    %get3A_320 = vector.load %arg8[%get3A_317, %get3A_318, %get3A_319] : memref<3x128x128xf32, #tpu.memory_space<vmem>>, vector<1x128x128xf32>
    %get3A_321 = vector.shape_cast %get3A_320 : vector<1x128x128xf32> to vector<128x128xf32>
    %dot_general3A_322 = arith.constant dense<0.000000e+00> : vector<128x128xf32>
    %dot_general3A_323 = tpu.matmul %get3A_299, %get3A_321, %dot_general3A_322 {dimension_numbers = #tpu.dot_dimension_numbers<[1], [0], [0], [1], [0, 0, 1, 1], [], []>, transpose_lhs_hint = false} : vector<128x128xf32>, vector<128x128xf32>, vector<128x128xf32> -> vector<128x128xf32>
    %broadcast_in_dim3A_324 = arith.constant 0.000000e+00 : f32
    %broadcast_in_dim3A_325 = vector.broadcast %broadcast_in_dim3A_324 : f32 to vector<128x3xf32>
    %swap3A_326 = arith.constant 0 : index
    %swap3A_327 = arith.constant 0 : index
    %swap3A_328 = vector.load %arg29[%swap3A_326, %swap3A_327] : memref<128x3xf32, #tpu.memory_space<vmem>>, vector<128x3xf32>
    tpu.vector_store %arg29[%swap3A_326, %swap3A_327], %broadcast_in_dim3A_325 {strides = array<i32>} : memref<128x3xf32, #tpu.memory_space<vmem>>, vector<128x3xf32>,
    %broadcast_in_dim3A_329 = arith.constant 0.000000e+00 : f32
    %broadcast_in_dim3A_330 = vector.broadcast %broadcast_in_dim3A_329 : f32 to vector<128x128xf32>
    %swap3A_331 = arith.constant 0 : index
    %swap3A_332 = arith.constant 0 : index
    %swap3A_333 = vector.load %arg30[%swap3A_331, %swap3A_332] : memref<128x128xf32, #tpu.memory_space<vmem>>, vector<128x128xf32>
    tpu.vector_store %arg30[%swap3A_331, %swap3A_332], %broadcast_in_dim3A_330 {strides = array<i32>} : memref<128x128xf32, #tpu.memory_space<vmem>>, vector<128x128xf32>,
    %get3A_334 = arith.constant 0 : index
    %get3A_335 = arith.constant 0 : index
    %get3A_336 = vector.load %arg24[%get3A_334, %get3A_335] : memref<128x3xf32, #tpu.memory_space<vmem>>, vector<128x3xf32>
    %get3A_337 = arith.constant 1 : index
    %get3A_338 = arith.constant 0 : index
    %get3A_339 = arith.constant 0 : index
    %get3A_340 = vector.load %arg9[%get3A_337, %get3A_338, %get3A_339] : memref<3x1x128xf32, #tpu.memory_space<vmem>>, vector<1x1x128xf32>
    %get3A_341 = vector.shape_cast %get3A_340 : vector<1x1x128xf32> to vector<1x128xf32>
    %broadcast_in_dim3A_342 = vector.shape_cast %get3A_341 : vector<1x128xf32> to vector<1x1x128xf32>
    %get3A_343 = arith.constant 1 : index
    %get3A_344 = arith.constant 0 : index
    %get3A_345 = arith.constant 0 : index
    %get3A_346 = vector.load %arg11[%get3A_343, %get3A_344, %get3A_345] : memref<3x128x128xf32, #tpu.memory_space<vmem>>, vector<1x128x128xf32>
    %get3A_347 = vector.shape_cast %get3A_346 : vector<1x128x128xf32> to vector<128x128xf32>
    %get3A_348 = arith.constant 1 : index
    %get3A_349 = arith.constant 0 : index
    %get3A_350 = arith.constant 0 : index
    %get3A_351 = vector.load %arg12[%get3A_348, %get3A_349, %get3A_350] : memref<3x1x128xf32, #tpu.memory_space<vmem>>, vector<1x1x128xf32>
    %get3A_352 = vector.shape_cast %get3A_351 : vector<1x1x128xf32> to vector<1x128xf32>
    %get3A_353 = arith.constant 1 : index
    %get3A_354 = arith.constant 0 : index
    %get3A_355 = arith.constant 0 : index
    %get3A_356 = vector.load %arg13[%get3A_353, %get3A_354, %get3A_355] : memref<3x128x128xf32, #tpu.memory_space<vmem>>, vector<1x128x128xf32>
    %get3A_357 = vector.shape_cast %get3A_356 : vector<1x128x128xf32> to vector<128x128xf32>
    %get3A_358 = arith.constant 1 : index
    %get3A_359 = arith.constant 0 : index
    %get3A_360 = arith.constant 0 : index
    %get3A_361 = vector.load %arg14[%get3A_358, %get3A_359, %get3A_360] : memref<3x1x128xf32, #tpu.memory_space<vmem>>, vector<1x1x128xf32>
    %get3A_362 = vector.shape_cast %get3A_361 : vector<1x1x128xf32> to vector<1x128xf32>
    %get3A_363 = arith.constant 1 : index
    %get3A_364 = arith.constant 0 : index
    %get3A_365 = arith.constant 0 : index
    %get3A_366 = vector.load %arg15[%get3A_363, %get3A_364, %get3A_365] : memref<3x128x1xf32, #tpu.memory_space<vmem>>, vector<1x128x1xf32>
    %get3A_367 = vector.shape_cast %get3A_366 : vector<1x128x1xf32> to vector<128x1xf32>
    %get3A_368 = arith.constant 1 : index
    %get3A_369 = arith.constant 0 : index
    %get3A_370 = arith.constant 0 : index
    %get3A_371 = vector.load %arg16[%get3A_368, %get3A_369, %get3A_370] : memref<3x1x128xf32, #tpu.memory_space<vmem>>, vector<1x1x128xf32>
    %get3A_372 = vector.shape_cast %get3A_371 : vector<1x1x128xf32> to vector<1x128xf32>
    %slice3A_373 = vector.extract_strided_slice %get3A_372 {offsets = [0, 0], sizes = [1, 1], strides = [1, 1]} : vector<1x128xf32> to vector<1x1xf32>
    %squeeze3A_374 = vector.extract %slice3A_373[0, 0] : f32 from vector<1x1xf32>
    %scan3A_375 = arith.constant 0 : i32
    %scan3A_376 = arith.constant 4 : i32
    %scan3A_377 = arith.addi %scan3A_375, %scan3A_376 : i32
    %scan3A_378 = arith.constant 1 : i32
    scf.for %scan3A_635 = %scan3A_375 to %scan3A_377 step %scan3A_378  : i32 {
      %mul3A_636 = arith.constant 2 : i32
      %mul3A_637 = arith.muli %scan3A_635, %mul3A_636 : i32
      %mul3A_638 = arith.constant 16 : i32
      %mul3A_639 = arith.muli %mul3A_637, %mul3A_638 : i32
      %get3A_640 = arith.index_cast %mul3A_639 : i32 to index
      %get3A_641 = arith.constant 0 : index
      %get3A_642 = vector.load %arg25[%get3A_640, %get3A_641] : memref<128x128xf32, #tpu.memory_space<vmem>>, vector<16x128xf32>
      %get3A_643 = arith.index_cast %mul3A_639 : i32 to index
      %get3A_644 = arith.constant 0 : index
      %get3A_645 = vector.load %arg32[%get3A_643, %get3A_644] : memref<128x128xf32, #tpu.memory_space<vmem>>, vector<16x128xf32>
      %broadcast_in_dim3A_646 = vector.shape_cast %get3A_645 : vector<16x128xf32> to vector<16x1x128xf32>
      %broadcast_in_dim3A_647 = vector.shape_cast %dot_general3A_323 : vector<128x128xf32> to vector<1x128x128xf32>
      %add3A_648 = vector.broadcast %broadcast_in_dim3A_646 : vector<16x1x128xf32> to vector<16x128x128xf32>
      %add3A_649 = vector.broadcast %broadcast_in_dim3A_647 : vector<1x128x128xf32> to vector<16x128x128xf32>
      %add3A_650 = arith.addf %add3A_648, %add3A_649 : vector<16x128x128xf32>
      %broadcast_in_dim3A_651 = vector.shape_cast %get3A_642 : vector<16x128xf32> to vector<16x128x1xf32>
      %mul3A_652 = vector.broadcast %broadcast_in_dim3A_651 : vector<16x128x1xf32> to vector<16x128x128xf32>
      %mul3A_653 = vector.broadcast %broadcast_in_dim3A_342 : vector<1x1x128xf32> to vector<16x128x128xf32>
      %mul3A_654 = arith.mulf %mul3A_652, %mul3A_653 : vector<16x128x128xf32>
      %add3A_655 = arith.addf %add3A_650, %mul3A_654 : vector<16x128x128xf32>
      %mul3A_656 = arith.constant 5.000000e-01 : f32
      %mul3A_657 = vector.broadcast %mul3A_656 : f32 to vector<16x128x128xf32>
      %mul3A_658 = arith.mulf %mul3A_657, %add3A_655 : vector<16x128x128xf32>
      %tanh3A_659 = math.tanh %mul3A_658 : vector<16x128x128xf32>
      %mul3A_660 = arith.mulf %mul3A_658, %tanh3A_659 : vector<16x128x128xf32>
      %add3A_661 = arith.addf %mul3A_658, %mul3A_660 : vector<16x128x128xf32>
      %reshape3A = vector.shape_cast %add3A_661 : vector<16x128x128xf32> to vector<2048x128xf32>
      %dot_general3A_662 = arith.constant dense<0.000000e+00> : vector<2048x128xf32>
      %dot_general3A_663 = tpu.matmul %reshape3A, %get3A_347, %dot_general3A_662 {dimension_numbers = #tpu.dot_dimension_numbers<[1], [0], [0], [1], [0, 0, 1, 1], [], []>, transpose_lhs_hint = false} : vector<2048x128xf32>, vector<128x128xf32>, vector<2048x128xf32> -> vector<2048x128xf32>
      %add3A_664 = vector.broadcast %get3A_352 : vector<1x128xf32> to vector<2048x128xf32>
      %add3A_665 = arith.addf %dot_general3A_663, %add3A_664 : vector<2048x128xf32>
      %mul3A_666 = arith.constant 5.000000e-01 : f32
      %mul3A_667 = vector.broadcast %mul3A_666 : f32 to vector<2048x128xf32>
      %mul3A_668 = arith.mulf %mul3A_667, %add3A_665 : vector<2048x128xf32>
      %tanh3A_669 = math.tanh %mul3A_668 : vector<2048x128xf32>
      %mul3A_670 = arith.mulf %mul3A_668, %tanh3A_669 : vector<2048x128xf32>
      %add3A_671 = arith.addf %mul3A_668, %mul3A_670 : vector<2048x128xf32>
      %dot_general3A_672 = arith.constant dense<0.000000e+00> : vector<2048x128xf32>
      %dot_general3A_673 = tpu.matmul %add3A_671, %get3A_357, %dot_general3A_672 {dimension_numbers = #tpu.dot_dimension_numbers<[1], [0], [0], [1], [0, 0, 1, 1], [], []>, transpose_lhs_hint = false} : vector<2048x128xf32>, vector<128x128xf32>, vector<2048x128xf32> -> vector<2048x128xf32>
      %add3A_674 = vector.broadcast %get3A_362 : vector<1x128xf32> to vector<2048x128xf32>
      %add3A_675 = arith.addf %dot_general3A_673, %add3A_674 : vector<2048x128xf32>
      %mul3A_676 = arith.constant 5.000000e-01 : f32
      %mul3A_677 = vector.broadcast %mul3A_676 : f32 to vector<2048x128xf32>
      %mul3A_678 = arith.mulf %mul3A_677, %add3A_675 : vector<2048x128xf32>
      %tanh3A_679 = math.tanh %mul3A_678 : vector<2048x128xf32>
      %mul3A_680 = arith.mulf %mul3A_678, %tanh3A_679 : vector<2048x128xf32>
      %add3A_681 = arith.addf %mul3A_678, %mul3A_680 : vector<2048x128xf32>
      %dot_general3A_682 = arith.constant dense<0.000000e+00> : vector<2048x1xf32>
      %dot_general3A_683 = tpu.matmul %add3A_681, %get3A_367, %dot_general3A_682 {dimension_numbers = #tpu.dot_dimension_numbers<[1], [0], [0], [1], [0, 0, 1, 1], [], []>, transpose_lhs_hint = false} : vector<2048x128xf32>, vector<128x1xf32>, vector<2048x1xf32> -> vector<2048x1xf32>
      %add3A_684 = vector.broadcast %squeeze3A_374 : f32 to vector<2048x1xf32>
      %add3A_685 = arith.addf %dot_general3A_683, %add3A_684 : vector<2048x1xf32>
      %reshape3A_686 = vector.shape_cast %add3A_685 : vector<2048x1xf32> to vector<16x128xf32>
      %get3A_687 = arith.index_cast %mul3A_639 : i32 to index
      %get3A_688 = arith.constant 0 : index
      %get3A_689 = vector.load %arg27[%get3A_687, %get3A_688] : memref<128x128xf32, #tpu.memory_space<vmem>>, vector<16x128xf32>
      %mul3A_690 = arith.mulf %get3A_689, %reshape3A_686 : vector<16x128xf32>
      %get3A_691 = arith.index_cast %mul3A_639 : i32 to index
      %get3A_692 = arith.constant 0 : index
      %get3A_693 = vector.load %arg24[%get3A_691, %get3A_692] : memref<128x3xf32, #tpu.memory_space<vmem>>, vector<16x3xf32>
      %dot_general3A_694 = arith.constant dense<0.000000e+00> : vector<16x3xf32>
      %dot_general3A_695 = tpu.matmul %mul3A_690, %get3A_336, %dot_general3A_694 {dimension_numbers = #tpu.dot_dimension_numbers<[1], [0], [0], [1], [0, 0, 1, 1], [], []>, transpose_lhs_hint = false} : vector<16x128xf32>, vector<128x3xf32>, vector<16x3xf32> -> vector<16x3xf32>
      %reduce_sum3A_696 = arith.constant dense<0.000000e+00> : vector<16xf32>
      %reduce_sum3A_697 = vector.multi_reduction <add>, %mul3A_690, %reduce_sum3A_696 [1] : vector<16x128xf32> to vector<16xf32>
      %broadcast_in_dim3A_698 = vector.shape_cast %reduce_sum3A_697 : vector<16xf32> to vector<16x1xf32>
      %mul3A_699 = vector.broadcast %broadcast_in_dim3A_698 : vector<16x1xf32> to vector<16x3xf32>
      %mul3A_700 = arith.mulf %mul3A_699, %get3A_693 : vector<16x3xf32>
      %sub3A_701 = arith.subf %dot_general3A_695, %mul3A_700 : vector<16x3xf32>
      %swap3A_702 = arith.index_cast %mul3A_639 : i32 to index
      %swap3A_703 = arith.constant 0 : index
      %swap3A_704 = vector.load %arg29[%swap3A_702, %swap3A_703] : memref<128x3xf32, #tpu.memory_space<vmem>>, vector<16x3xf32>
      tpu.vector_store %arg29[%swap3A_702, %swap3A_703], %sub3A_701 {strides = array<i32>} : memref<128x3xf32, #tpu.memory_space<vmem>>, vector<16x3xf32>,
      %reshape3A_705 = vector.shape_cast %add3A_671 : vector<2048x128xf32> to vector<16x128x128xf32>
      %broadcast_in_dim3A_706 = vector.shape_cast %get3A_689 : vector<16x128xf32> to vector<16x128x1xf32>
      %mul3A_707 = vector.broadcast %broadcast_in_dim3A_706 : vector<16x128x1xf32> to vector<16x128x128xf32>
      %mul3A_708 = arith.mulf %reshape3A_705, %mul3A_707 : vector<16x128x128xf32>
      %reduce_sum3A_709 = arith.constant dense<0.000000e+00> : vector<16x128xf32>
      %reduce_sum3A_710 = vector.multi_reduction <add>, %mul3A_708, %reduce_sum3A_709 [1] : vector<16x128x128xf32> to vector<16x128xf32>
      %swap3A_711 = arith.index_cast %mul3A_639 : i32 to index
      %swap3A_712 = arith.constant 0 : index
      %swap3A_713 = vector.load %arg30[%swap3A_711, %swap3A_712] : memref<128x128xf32, #tpu.memory_space<vmem>>, vector<16x128xf32>
      tpu.vector_store %arg30[%swap3A_711, %swap3A_712], %reduce_sum3A_710 {strides = array<i32>} : memref<128x128xf32, #tpu.memory_space<vmem>>, vector<16x128xf32>,
      %mul3A_714 = arith.constant 2 : i32
      %mul3A_715 = arith.muli %scan3A_635, %mul3A_714 : i32
      %add3A_716 = arith.constant 1 : i32
      %add3A_717 = arith.addi %mul3A_715, %add3A_716 : i32
      %mul3A_718 = arith.constant 16 : i32
      %mul3A_719 = arith.muli %add3A_717, %mul3A_718 : i32
      %get3A_720 = arith.index_cast %mul3A_719 : i32 to index
      %get3A_721 = arith.constant 0 : index
      %get3A_722 = vector.load %arg25[%get3A_720, %get3A_721] : memref<128x128xf32, #tpu.memory_space<vmem>>, vector<16x128xf32>
      %get3A_723 = arith.index_cast %mul3A_719 : i32 to index
      %get3A_724 = arith.constant 0 : index
      %get3A_725 = vector.load %arg32[%get3A_723, %get3A_724] : memref<128x128xf32, #tpu.memory_space<vmem>>, vector<16x128xf32>
      %broadcast_in_dim3A_726 = vector.shape_cast %get3A_725 : vector<16x128xf32> to vector<16x1x128xf32>
      %broadcast_in_dim3A_727 = vector.shape_cast %dot_general3A_323 : vector<128x128xf32> to vector<1x128x128xf32>
      %add3A_728 = vector.broadcast %broadcast_in_dim3A_726 : vector<16x1x128xf32> to vector<16x128x128xf32>
      %add3A_729 = vector.broadcast %broadcast_in_dim3A_727 : vector<1x128x128xf32> to vector<16x128x128xf32>
      %add3A_730 = arith.addf %add3A_728, %add3A_729 : vector<16x128x128xf32>
      %broadcast_in_dim3A_731 = vector.shape_cast %get3A_722 : vector<16x128xf32> to vector<16x128x1xf32>
      %mul3A_732 = vector.broadcast %broadcast_in_dim3A_731 : vector<16x128x1xf32> to vector<16x128x128xf32>
      %mul3A_733 = vector.broadcast %broadcast_in_dim3A_342 : vector<1x1x128xf32> to vector<16x128x128xf32>
      %mul3A_734 = arith.mulf %mul3A_732, %mul3A_733 : vector<16x128x128xf32>
      %add3A_735 = arith.addf %add3A_730, %mul3A_734 : vector<16x128x128xf32>
      %mul3A_736 = arith.constant 5.000000e-01 : f32
      %mul3A_737 = vector.broadcast %mul3A_736 : f32 to vector<16x128x128xf32>
      %mul3A_738 = arith.mulf %mul3A_737, %add3A_735 : vector<16x128x128xf32>
      %tanh3A_739 = math.tanh %mul3A_738 : vector<16x128x128xf32>
      %mul3A_740 = arith.mulf %mul3A_738, %tanh3A_739 : vector<16x128x128xf32>
      %add3A_741 = arith.addf %mul3A_738, %mul3A_740 : vector<16x128x128xf32>
      %reshape3A_742 = vector.shape_cast %add3A_741 : vector<16x128x128xf32> to vector<2048x128xf32>
      %dot_general3A_743 = arith.constant dense<0.000000e+00> : vector<2048x128xf32>
      %dot_general3A_744 = tpu.matmul %reshape3A_742, %get3A_347, %dot_general3A_743 {dimension_numbers = #tpu.dot_dimension_numbers<[1], [0], [0], [1], [0, 0, 1, 1], [], []>, transpose_lhs_hint = false} : vector<2048x128xf32>, vector<128x128xf32>, vector<2048x128xf32> -> vector<2048x128xf32>
      %add3A_745 = vector.broadcast %get3A_352 : vector<1x128xf32> to vector<2048x128xf32>
      %add3A_746 = arith.addf %dot_general3A_744, %add3A_745 : vector<2048x128xf32>
      %mul3A_747 = arith.constant 5.000000e-01 : f32
      %mul3A_748 = vector.broadcast %mul3A_747 : f32 to vector<2048x128xf32>
      %mul3A_749 = arith.mulf %mul3A_748, %add3A_746 : vector<2048x128xf32>
      %tanh3A_750 = math.tanh %mul3A_749 : vector<2048x128xf32>
      %mul3A_751 = arith.mulf %mul3A_749, %tanh3A_750 : vector<2048x128xf32>
      %add3A_752 = arith.addf %mul3A_749, %mul3A_751 : vector<2048x128xf32>
      %dot_general3A_753 = arith.constant dense<0.000000e+00> : vector<2048x128xf32>
      %dot_general3A_754 = tpu.matmul %add3A_752, %get3A_357, %dot_general3A_753 {dimension_numbers = #tpu.dot_dimension_numbers<[1], [0], [0], [1], [0, 0, 1, 1], [], []>, transpose_lhs_hint = false} : vector<2048x128xf32>, vector<128x128xf32>, vector<2048x128xf32> -> vector<2048x128xf32>
      %add3A_755 = vector.broadcast %get3A_362 : vector<1x128xf32> to vector<2048x128xf32>
      %add3A_756 = arith.addf %dot_general3A_754, %add3A_755 : vector<2048x128xf32>
      %mul3A_757 = arith.constant 5.000000e-01 : f32
      %mul3A_758 = vector.broadcast %mul3A_757 : f32 to vector<2048x128xf32>
      %mul3A_759 = arith.mulf %mul3A_758, %add3A_756 : vector<2048x128xf32>
      %tanh3A_760 = math.tanh %mul3A_759 : vector<2048x128xf32>
      %mul3A_761 = arith.mulf %mul3A_759, %tanh3A_760 : vector<2048x128xf32>
      %add3A_762 = arith.addf %mul3A_759, %mul3A_761 : vector<2048x128xf32>
      %dot_general3A_763 = arith.constant dense<0.000000e+00> : vector<2048x1xf32>
      %dot_general3A_764 = tpu.matmul %add3A_762, %get3A_367, %dot_general3A_763 {dimension_numbers = #tpu.dot_dimension_numbers<[1], [0], [0], [1], [0, 0, 1, 1], [], []>, transpose_lhs_hint = false} : vector<2048x128xf32>, vector<128x1xf32>, vector<2048x1xf32> -> vector<2048x1xf32>
      %add3A_765 = vector.broadcast %squeeze3A_374 : f32 to vector<2048x1xf32>
      %add3A_766 = arith.addf %dot_general3A_764, %add3A_765 : vector<2048x1xf32>
      %reshape3A_767 = vector.shape_cast %add3A_766 : vector<2048x1xf32> to vector<16x128xf32>
      %get3A_768 = arith.index_cast %mul3A_719 : i32 to index
      %get3A_769 = arith.constant 0 : index
      %get3A_770 = vector.load %arg27[%get3A_768, %get3A_769] : memref<128x128xf32, #tpu.memory_space<vmem>>, vector<16x128xf32>
      %mul3A_771 = arith.mulf %get3A_770, %reshape3A_767 : vector<16x128xf32>
      %get3A_772 = arith.index_cast %mul3A_719 : i32 to index
      %get3A_773 = arith.constant 0 : index
      %get3A_774 = vector.load %arg24[%get3A_772, %get3A_773] : memref<128x3xf32, #tpu.memory_space<vmem>>, vector<16x3xf32>
      %dot_general3A_775 = arith.constant dense<0.000000e+00> : vector<16x3xf32>
      %dot_general3A_776 = tpu.matmul %mul3A_771, %get3A_336, %dot_general3A_775 {dimension_numbers = #tpu.dot_dimension_numbers<[1], [0], [0], [1], [0, 0, 1, 1], [], []>, transpose_lhs_hint = false} : vector<16x128xf32>, vector<128x3xf32>, vector<16x3xf32> -> vector<16x3xf32>
      %reduce_sum3A_777 = arith.constant dense<0.000000e+00> : vector<16xf32>
      %reduce_sum3A_778 = vector.multi_reduction <add>, %mul3A_771, %reduce_sum3A_777 [1] : vector<16x128xf32> to vector<16xf32>
      %broadcast_in_dim3A_779 = vector.shape_cast %reduce_sum3A_778 : vector<16xf32> to vector<16x1xf32>
      %mul3A_780 = vector.broadcast %broadcast_in_dim3A_779 : vector<16x1xf32> to vector<16x3xf32>
      %mul3A_781 = arith.mulf %mul3A_780, %get3A_774 : vector<16x3xf32>
      %sub3A_782 = arith.subf %dot_general3A_776, %mul3A_781 : vector<16x3xf32>
      %swap3A_783 = arith.index_cast %mul3A_719 : i32 to index
      %swap3A_784 = arith.constant 0 : index
      %swap3A_785 = vector.load %arg29[%swap3A_783, %swap3A_784] : memref<128x3xf32, #tpu.memory_space<vmem>>, vector<16x3xf32>
      tpu.vector_store %arg29[%swap3A_783, %swap3A_784], %sub3A_782 {strides = array<i32>} : memref<128x3xf32, #tpu.memory_space<vmem>>, vector<16x3xf32>,
      %reshape3A_786 = vector.shape_cast %add3A_752 : vector<2048x128xf32> to vector<16x128x128xf32>
      %broadcast_in_dim3A_787 = vector.shape_cast %get3A_770 : vector<16x128xf32> to vector<16x128x1xf32>
      %mul3A_788 = vector.broadcast %broadcast_in_dim3A_787 : vector<16x128x1xf32> to vector<16x128x128xf32>
      %mul3A_789 = arith.mulf %reshape3A_786, %mul3A_788 : vector<16x128x128xf32>
      %reduce_sum3A_790 = arith.constant dense<0.000000e+00> : vector<16x128xf32>
      %reduce_sum3A_791 = vector.multi_reduction <add>, %mul3A_789, %reduce_sum3A_790 [1] : vector<16x128x128xf32> to vector<16x128xf32>
      %swap3A_792 = arith.index_cast %mul3A_719 : i32 to index
      %swap3A_793 = arith.constant 0 : index
      %swap3A_794 = vector.load %arg30[%swap3A_792, %swap3A_793] : memref<128x128xf32, #tpu.memory_space<vmem>>, vector<16x128xf32>
      tpu.vector_store %arg30[%swap3A_792, %swap3A_793], %reduce_sum3A_791 {strides = array<i32>} : memref<128x128xf32, #tpu.memory_space<vmem>>, vector<16x128xf32>,
    }
    %scan3A_379 = arith.constant 4 : i32
    %get3A_380 = arith.constant 0 : index
    %get3A_381 = arith.constant 0 : index
    %get3A_382 = vector.load %arg28[%get3A_380, %get3A_381] : memref<128x1xf32, #tpu.memory_space<vmem>>, vector<128x1xf32>
    %get3A_383 = arith.constant 0 : index
    %get3A_384 = arith.constant 0 : index
    %get3A_385 = vector.load %arg30[%get3A_383, %get3A_384] : memref<128x128xf32, #tpu.memory_space<vmem>>, vector<128x128xf32>
    %div3A_386 = vector.broadcast %get3A_382 : vector<128x1xf32> to vector<128x128xf32>
    %div3A_387 = arith.divf %get3A_385, %div3A_386 : vector<128x128xf32>
    %get3A_388 = arith.constant 1 : index
    %get3A_389 = arith.constant 0 : index
    %get3A_390 = arith.constant 0 : index
    %get3A_391 = vector.load %arg17[%get3A_388, %get3A_389, %get3A_390] : memref<3x128x128xf32, #tpu.memory_space<vmem>>, vector<1x128x128xf32>
    %get3A_392 = vector.shape_cast %get3A_391 : vector<1x128x128xf32> to vector<128x128xf32>
    %dot_general3A_393 = arith.constant dense<0.000000e+00> : vector<128x128xf32>
    %dot_general3A_394 = tpu.matmul %get3A_299, %get3A_392, %dot_general3A_393 {dimension_numbers = #tpu.dot_dimension_numbers<[1], [0], [0], [1], [0, 0, 1, 1], [], []>, transpose_lhs_hint = false} : vector<128x128xf32>, vector<128x128xf32>, vector<128x128xf32> -> vector<128x128xf32>
    %get3A_395 = arith.constant 1 : index
    %get3A_396 = arith.constant 0 : index
    %get3A_397 = arith.constant 0 : index
    %get3A_398 = vector.load %arg18[%get3A_395, %get3A_396, %get3A_397] : memref<3x128x128xf32, #tpu.memory_space<vmem>>, vector<1x128x128xf32>
    %get3A_399 = vector.shape_cast %get3A_398 : vector<1x128x128xf32> to vector<128x128xf32>
    %dot_general3A_400 = arith.constant dense<0.000000e+00> : vector<128x128xf32>
    %dot_general3A_401 = tpu.matmul %div3A_387, %get3A_399, %dot_general3A_400 {dimension_numbers = #tpu.dot_dimension_numbers<[1], [0], [0], [1], [0, 0, 1, 1], [], []>, transpose_lhs_hint = false} : vector<128x128xf32>, vector<128x128xf32>, vector<128x128xf32> -> vector<128x128xf32>
    %add3A_402 = arith.addf %dot_general3A_394, %dot_general3A_401 : vector<128x128xf32>
    %get3A_403 = arith.constant 1 : index
    %get3A_404 = arith.constant 0 : index
    %get3A_405 = arith.constant 0 : index
    %get3A_406 = vector.load %arg19[%get3A_403, %get3A_404, %get3A_405] : memref<3x1x128xf32, #tpu.memory_space<vmem>>, vector<1x1x128xf32>
    %get3A_407 = vector.shape_cast %get3A_406 : vector<1x1x128xf32> to vector<1x128xf32>
    %add3A_408 = vector.broadcast %get3A_407 : vector<1x128xf32> to vector<128x128xf32>
    %add3A_409 = arith.addf %add3A_402, %add3A_408 : vector<128x128xf32>
    %mul3A_410 = arith.constant 5.000000e-01 : f32
    %mul3A_411 = vector.broadcast %mul3A_410 : f32 to vector<128x128xf32>
    %mul3A_412 = arith.mulf %mul3A_411, %add3A_409 : vector<128x128xf32>
    %tanh3A_413 = math.tanh %mul3A_412 : vector<128x128xf32>
    %mul3A_414 = arith.mulf %mul3A_412, %tanh3A_413 : vector<128x128xf32>
    %add3A_415 = arith.addf %mul3A_412, %mul3A_414 : vector<128x128xf32>
    %get3A_416 = arith.constant 1 : index
    %get3A_417 = arith.constant 0 : index
    %get3A_418 = arith.constant 0 : index
    %get3A_419 = vector.load %arg20[%get3A_416, %get3A_417, %get3A_418] : memref<3x128x128xf32, #tpu.memory_space<vmem>>, vector<1x128x128xf32>
    %get3A_420 = vector.shape_cast %get3A_419 : vector<1x128x128xf32> to vector<128x128xf32>
    %dot_general3A_421 = arith.constant dense<0.000000e+00> : vector<128x128xf32>
    %dot_general3A_422 = tpu.matmul %add3A_415, %get3A_420, %dot_general3A_421 {dimension_numbers = #tpu.dot_dimension_numbers<[1], [0], [0], [1], [0, 0, 1, 1], [], []>, transpose_lhs_hint = false} : vector<128x128xf32>, vector<128x128xf32>, vector<128x128xf32> -> vector<128x128xf32>
    %get3A_423 = arith.constant 1 : index
    %get3A_424 = arith.constant 0 : index
    %get3A_425 = arith.constant 0 : index
    %get3A_426 = vector.load %arg21[%get3A_423, %get3A_424, %get3A_425] : memref<3x1x128xf32, #tpu.memory_space<vmem>>, vector<1x1x128xf32>
    %get3A_427 = vector.shape_cast %get3A_426 : vector<1x1x128xf32> to vector<1x128xf32>
    %add3A_428 = vector.broadcast %get3A_427 : vector<1x128xf32> to vector<128x128xf32>
    %add3A_429 = arith.addf %dot_general3A_422, %add3A_428 : vector<128x128xf32>
    %add3A_430 = arith.addf %get3A_299, %add3A_429 : vector<128x128xf32>
    %swap3A_431 = arith.constant 0 : index
    %swap3A_432 = arith.constant 0 : index
    %swap3A_433 = vector.load %arg23[%swap3A_431, %swap3A_432] : memref<128x128xf32, #tpu.memory_space<vmem>>, vector<128x128xf32>
    tpu.vector_store %arg23[%swap3A_431, %swap3A_432], %add3A_430 {strides = array<i32>} : memref<128x128xf32, #tpu.memory_space<vmem>>, vector<128x128xf32>,
    %get3A_434 = arith.constant 0 : index
    %get3A_435 = arith.constant 0 : index
    %get3A_436 = vector.load %arg29[%get3A_434, %get3A_435] : memref<128x3xf32, #tpu.memory_space<vmem>>, vector<128x3xf32>
    %div3A_437 = vector.broadcast %get3A_382 : vector<128x1xf32> to vector<128x3xf32>
    %div3A_438 = arith.divf %get3A_436, %div3A_437 : vector<128x3xf32>
    %add3A_439 = arith.addf %get3A_336, %div3A_438 : vector<128x3xf32>
    %swap3A_440 = arith.constant 0 : index
    %swap3A_441 = arith.constant 0 : index
    %swap3A_442 = vector.load %arg24[%swap3A_440, %swap3A_441] : memref<128x3xf32, #tpu.memory_space<vmem>>, vector<128x3xf32>
    tpu.vector_store %arg24[%swap3A_440, %swap3A_441], %add3A_439 {strides = array<i32>} : memref<128x3xf32, #tpu.memory_space<vmem>>, vector<128x3xf32>,
    %get3A_443 = arith.constant 0 : index
    %get3A_444 = arith.constant 0 : index
    %get3A_445 = vector.load %arg24[%get3A_443, %get3A_444] : memref<128x3xf32, #tpu.memory_space<vmem>>, vector<128x3xf32>
    %iota3A_446 = tpu.iota {dimensions = array<i32: 0>} : vector<128x128xi32>
    %iota3A_447 = tpu.iota {dimensions = array<i32: 1>} : vector<128x128xi32>
    %add3A_448 = arith.constant 0 : i32
    %add3A_449 = vector.broadcast %add3A_448 : i32 to vector<128x128xi32>
    %add3A_450 = arith.addi %iota3A_446, %add3A_449 : vector<128x128xi32>
    %eq3A_451 = arith.cmpi eq, %add3A_450, %iota3A_447 : vector<128x128xi32>
    %convert_element_type3A_452 = arith.extui %eq3A_451 : vector<128x128xi1> to vector<128x128xi32>
    %convert_element_type3A_453 = arith.sitofp %convert_element_type3A_452 : vector<128x128xi32> to vector<128x128xf32>
    %dot_general3A_454 = arith.constant dense<0.000000e+00> : vector<3x128xf32>
    %dot_general3A_455 = tpu.matmul %get3A_445, %convert_element_type3A_453, %dot_general3A_454 {dimension_numbers = #tpu.dot_dimension_numbers<[0], [0], [1], [1], [0, 1, 1, 1], [], []>, transpose_lhs_hint = false} : vector<128x3xf32>, vector<128x128xf32>, vector<3x128xf32> -> vector<3x128xf32>
    %slice3A_456 = vector.extract_strided_slice %get3A_445 {offsets = [0, 0], sizes = [128, 1], strides = [1, 1]} : vector<128x3xf32> to vector<128x1xf32>
    %slice3A_457 = vector.extract_strided_slice %dot_general3A_455 {offsets = [0, 0], sizes = [1, 128], strides = [1, 1]} : vector<3x128xf32> to vector<1x128xf32>
    %sub3A_458 = vector.broadcast %slice3A_456 : vector<128x1xf32> to vector<128x128xf32>
    %sub3A_459 = vector.broadcast %slice3A_457 : vector<1x128xf32> to vector<128x128xf32>
    %sub3A_460 = arith.subf %sub3A_458, %sub3A_459 : vector<128x128xf32>
    %mul3A_461 = arith.mulf %sub3A_460, %sub3A_460 : vector<128x128xf32>
    %slice3A_462 = vector.extract_strided_slice %get3A_445 {offsets = [0, 1], sizes = [128, 1], strides = [1, 1]} : vector<128x3xf32> to vector<128x1xf32>
    %slice3A_463 = vector.extract_strided_slice %dot_general3A_455 {offsets = [1, 0], sizes = [1, 128], strides = [1, 1]} : vector<3x128xf32> to vector<1x128xf32>
    %sub3A_464 = vector.broadcast %slice3A_462 : vector<128x1xf32> to vector<128x128xf32>
    %sub3A_465 = vector.broadcast %slice3A_463 : vector<1x128xf32> to vector<128x128xf32>
    %sub3A_466 = arith.subf %sub3A_464, %sub3A_465 : vector<128x128xf32>
    %mul3A_467 = arith.mulf %sub3A_466, %sub3A_466 : vector<128x128xf32>
    %add3A_468 = arith.addf %mul3A_461, %mul3A_467 : vector<128x128xf32>
    %slice3A_469 = vector.extract_strided_slice %get3A_445 {offsets = [0, 2], sizes = [128, 1], strides = [1, 1]} : vector<128x3xf32> to vector<128x1xf32>
    %slice3A_470 = vector.extract_strided_slice %dot_general3A_455 {offsets = [2, 0], sizes = [1, 128], strides = [1, 1]} : vector<3x128xf32> to vector<1x128xf32>
    %sub3A_471 = vector.broadcast %slice3A_469 : vector<128x1xf32> to vector<128x128xf32>
    %sub3A_472 = vector.broadcast %slice3A_470 : vector<1x128xf32> to vector<128x128xf32>
    %sub3A_473 = arith.subf %sub3A_471, %sub3A_472 : vector<128x128xf32>
    %mul3A_474 = arith.mulf %sub3A_473, %sub3A_473 : vector<128x128xf32>
    %add3A_475 = arith.addf %add3A_468, %mul3A_474 : vector<128x128xf32>
    %sqrt3A_476 = math.sqrt %add3A_475 : vector<128x128xf32>
    %swap3A_477 = arith.constant 0 : index
    %swap3A_478 = arith.constant 0 : index
    %swap3A_479 = vector.load %arg25[%swap3A_477, %swap3A_478] : memref<128x128xf32, #tpu.memory_space<vmem>>, vector<128x128xf32>
    tpu.vector_store %arg25[%swap3A_477, %swap3A_478], %sqrt3A_476 {strides = array<i32>} : memref<128x128xf32, #tpu.memory_space<vmem>>, vector<128x128xf32>,
    %get3A_480 = arith.constant 0 : index
    %get3A_481 = arith.constant 0 : index
    %get3A_482 = vector.load %arg23[%get3A_480, %get3A_481] : memref<128x128xf32, #tpu.memory_space<vmem>>, vector<128x128xf32>
    %get3A_483 = arith.constant 2 : index
    %get3A_484 = arith.constant 0 : index
    %get3A_485 = arith.constant 0 : index
    %get3A_486 = vector.load %arg7[%get3A_483, %get3A_484, %get3A_485] : memref<3x128x128xf32, #tpu.memory_space<vmem>>, vector<1x128x128xf32>
    %get3A_487 = vector.shape_cast %get3A_486 : vector<1x128x128xf32> to vector<128x128xf32>
    %dot_general3A_488 = arith.constant dense<0.000000e+00> : vector<128x128xf32>
    %dot_general3A_489 = tpu.matmul %get3A_482, %get3A_487, %dot_general3A_488 {dimension_numbers = #tpu.dot_dimension_numbers<[1], [0], [0], [1], [0, 0, 1, 1], [], []>, transpose_lhs_hint = false} : vector<128x128xf32>, vector<128x128xf32>, vector<128x128xf32> -> vector<128x128xf32>
    %get3A_490 = arith.constant 2 : index
    %get3A_491 = arith.constant 0 : index
    %get3A_492 = arith.constant 0 : index
    %get3A_493 = vector.load %arg10[%get3A_490, %get3A_491, %get3A_492] : memref<3x1x128xf32, #tpu.memory_space<vmem>>, vector<1x1x128xf32>
    %get3A_494 = vector.shape_cast %get3A_493 : vector<1x1x128xf32> to vector<1x128xf32>
    %add3A_495 = vector.broadcast %get3A_494 : vector<1x128xf32> to vector<128x128xf32>
    %add3A_496 = arith.addf %dot_general3A_489, %add3A_495 : vector<128x128xf32>
    %swap3A_497 = arith.constant 0 : index
    %swap3A_498 = arith.constant 0 : index
    %swap3A_499 = vector.load %arg32[%swap3A_497, %swap3A_498] : memref<128x128xf32, #tpu.memory_space<vmem>>, vector<128x128xf32>
    tpu.vector_store %arg32[%swap3A_497, %swap3A_498], %add3A_496 {strides = array<i32>} : memref<128x128xf32, #tpu.memory_space<vmem>>, vector<128x128xf32>,
    %get3A_500 = arith.constant 2 : index
    %get3A_501 = arith.constant 0 : index
    %get3A_502 = arith.constant 0 : index
    %get3A_503 = vector.load %arg8[%get3A_500, %get3A_501, %get3A_502] : memref<3x128x128xf32, #tpu.memory_space<vmem>>, vector<1x128x128xf32>
    %get3A_504 = vector.shape_cast %get3A_503 : vector<1x128x128xf32> to vector<128x128xf32>
    %dot_general3A_505 = arith.constant dense<0.000000e+00> : vector<128x128xf32>
    %dot_general3A_506 = tpu.matmul %get3A_482, %get3A_504, %dot_general3A_505 {dimension_numbers = #tpu.dot_dimension_numbers<[1], [0], [0], [1], [0, 0, 1, 1], [], []>, transpose_lhs_hint = false} : vector<128x128xf32>, vector<128x128xf32>, vector<128x128xf32> -> vector<128x128xf32>
    %broadcast_in_dim3A_507 = arith.constant 0.000000e+00 : f32
    %broadcast_in_dim3A_508 = vector.broadcast %broadcast_in_dim3A_507 : f32 to vector<128x3xf32>
    %swap3A_509 = arith.constant 0 : index
    %swap3A_510 = arith.constant 0 : index
    %swap3A_511 = vector.load %arg29[%swap3A_509, %swap3A_510] : memref<128x3xf32, #tpu.memory_space<vmem>>, vector<128x3xf32>
    tpu.vector_store %arg29[%swap3A_509, %swap3A_510], %broadcast_in_dim3A_508 {strides = array<i32>} : memref<128x3xf32, #tpu.memory_space<vmem>>, vector<128x3xf32>,
    %broadcast_in_dim3A_512 = arith.constant 0.000000e+00 : f32
    %broadcast_in_dim3A_513 = vector.broadcast %broadcast_in_dim3A_512 : f32 to vector<128x128xf32>
    %swap3A_514 = arith.constant 0 : index
    %swap3A_515 = arith.constant 0 : index
    %swap3A_516 = vector.load %arg30[%swap3A_514, %swap3A_515] : memref<128x128xf32, #tpu.memory_space<vmem>>, vector<128x128xf32>
    tpu.vector_store %arg30[%swap3A_514, %swap3A_515], %broadcast_in_dim3A_513 {strides = array<i32>} : memref<128x128xf32, #tpu.memory_space<vmem>>, vector<128x128xf32>,
    %get3A_517 = arith.constant 0 : index
    %get3A_518 = arith.constant 0 : index
    %get3A_519 = vector.load %arg24[%get3A_517, %get3A_518] : memref<128x3xf32, #tpu.memory_space<vmem>>, vector<128x3xf32>
    %get3A_520 = arith.constant 2 : index
    %get3A_521 = arith.constant 0 : index
    %get3A_522 = arith.constant 0 : index
    %get3A_523 = vector.load %arg9[%get3A_520, %get3A_521, %get3A_522] : memref<3x1x128xf32, #tpu.memory_space<vmem>>, vector<1x1x128xf32>
    %get3A_524 = vector.shape_cast %get3A_523 : vector<1x1x128xf32> to vector<1x128xf32>
    %broadcast_in_dim3A_525 = vector.shape_cast %get3A_524 : vector<1x128xf32> to vector<1x1x128xf32>
    %get3A_526 = arith.constant 2 : index
    %get3A_527 = arith.constant 0 : index
    %get3A_528 = arith.constant 0 : index
    %get3A_529 = vector.load %arg11[%get3A_526, %get3A_527, %get3A_528] : memref<3x128x128xf32, #tpu.memory_space<vmem>>, vector<1x128x128xf32>
    %get3A_530 = vector.shape_cast %get3A_529 : vector<1x128x128xf32> to vector<128x128xf32>
    %get3A_531 = arith.constant 2 : index
    %get3A_532 = arith.constant 0 : index
    %get3A_533 = arith.constant 0 : index
    %get3A_534 = vector.load %arg12[%get3A_531, %get3A_532, %get3A_533] : memref<3x1x128xf32, #tpu.memory_space<vmem>>, vector<1x1x128xf32>
    %get3A_535 = vector.shape_cast %get3A_534 : vector<1x1x128xf32> to vector<1x128xf32>
    %get3A_536 = arith.constant 2 : index
    %get3A_537 = arith.constant 0 : index
    %get3A_538 = arith.constant 0 : index
    %get3A_539 = vector.load %arg13[%get3A_536, %get3A_537, %get3A_538] : memref<3x128x128xf32, #tpu.memory_space<vmem>>, vector<1x128x128xf32>
    %get3A_540 = vector.shape_cast %get3A_539 : vector<1x128x128xf32> to vector<128x128xf32>
    %get3A_541 = arith.constant 2 : index
    %get3A_542 = arith.constant 0 : index
    %get3A_543 = arith.constant 0 : index
    %get3A_544 = vector.load %arg14[%get3A_541, %get3A_542, %get3A_543] : memref<3x1x128xf32, #tpu.memory_space<vmem>>, vector<1x1x128xf32>
    %get3A_545 = vector.shape_cast %get3A_544 : vector<1x1x128xf32> to vector<1x128xf32>
    %get3A_546 = arith.constant 2 : index
    %get3A_547 = arith.constant 0 : index
    %get3A_548 = arith.constant 0 : index
    %get3A_549 = vector.load %arg15[%get3A_546, %get3A_547, %get3A_548] : memref<3x128x1xf32, #tpu.memory_space<vmem>>, vector<1x128x1xf32>
    %get3A_550 = vector.shape_cast %get3A_549 : vector<1x128x1xf32> to vector<128x1xf32>
    %get3A_551 = arith.constant 2 : index
    %get3A_552 = arith.constant 0 : index
    %get3A_553 = arith.constant 0 : index
    %get3A_554 = vector.load %arg16[%get3A_551, %get3A_552, %get3A_553] : memref<3x1x128xf32, #tpu.memory_space<vmem>>, vector<1x1x128xf32>
    %get3A_555 = vector.shape_cast %get3A_554 : vector<1x1x128xf32> to vector<1x128xf32>
    %slice3A_556 = vector.extract_strided_slice %get3A_555 {offsets = [0, 0], sizes = [1, 1], strides = [1, 1]} : vector<1x128xf32> to vector<1x1xf32>
    %squeeze3A_557 = vector.extract %slice3A_556[0, 0] : f32 from vector<1x1xf32>
    %scan3A_558 = arith.constant 0 : i32
    %scan3A_559 = arith.constant 4 : i32
    %scan3A_560 = arith.addi %scan3A_558, %scan3A_559 : i32
    %scan3A_561 = arith.constant 1 : i32
    scf.for %scan3A_635 = %scan3A_558 to %scan3A_560 step %scan3A_561  : i32 {
      %mul3A_636 = arith.constant 2 : i32
      %mul3A_637 = arith.muli %scan3A_635, %mul3A_636 : i32
      %mul3A_638 = arith.constant 16 : i32
      %mul3A_639 = arith.muli %mul3A_637, %mul3A_638 : i32
      %get3A_640 = arith.index_cast %mul3A_639 : i32 to index
      %get3A_641 = arith.constant 0 : index
      %get3A_642 = vector.load %arg25[%get3A_640, %get3A_641] : memref<128x128xf32, #tpu.memory_space<vmem>>, vector<16x128xf32>
      %get3A_643 = arith.index_cast %mul3A_639 : i32 to index
      %get3A_644 = arith.constant 0 : index
      %get3A_645 = vector.load %arg32[%get3A_643, %get3A_644] : memref<128x128xf32, #tpu.memory_space<vmem>>, vector<16x128xf32>
      %broadcast_in_dim3A_646 = vector.shape_cast %get3A_645 : vector<16x128xf32> to vector<16x1x128xf32>
      %broadcast_in_dim3A_647 = vector.shape_cast %dot_general3A_506 : vector<128x128xf32> to vector<1x128x128xf32>
      %add3A_648 = vector.broadcast %broadcast_in_dim3A_646 : vector<16x1x128xf32> to vector<16x128x128xf32>
      %add3A_649 = vector.broadcast %broadcast_in_dim3A_647 : vector<1x128x128xf32> to vector<16x128x128xf32>
      %add3A_650 = arith.addf %add3A_648, %add3A_649 : vector<16x128x128xf32>
      %broadcast_in_dim3A_651 = vector.shape_cast %get3A_642 : vector<16x128xf32> to vector<16x128x1xf32>
      %mul3A_652 = vector.broadcast %broadcast_in_dim3A_651 : vector<16x128x1xf32> to vector<16x128x128xf32>
      %mul3A_653 = vector.broadcast %broadcast_in_dim3A_525 : vector<1x1x128xf32> to vector<16x128x128xf32>
      %mul3A_654 = arith.mulf %mul3A_652, %mul3A_653 : vector<16x128x128xf32>
      %add3A_655 = arith.addf %add3A_650, %mul3A_654 : vector<16x128x128xf32>
      %mul3A_656 = arith.constant 5.000000e-01 : f32
      %mul3A_657 = vector.broadcast %mul3A_656 : f32 to vector<16x128x128xf32>
      %mul3A_658 = arith.mulf %mul3A_657, %add3A_655 : vector<16x128x128xf32>
      %tanh3A_659 = math.tanh %mul3A_658 : vector<16x128x128xf32>
      %mul3A_660 = arith.mulf %mul3A_658, %tanh3A_659 : vector<16x128x128xf32>
      %add3A_661 = arith.addf %mul3A_658, %mul3A_660 : vector<16x128x128xf32>
      %reshape3A = vector.shape_cast %add3A_661 : vector<16x128x128xf32> to vector<2048x128xf32>
      %dot_general3A_662 = arith.constant dense<0.000000e+00> : vector<2048x128xf32>
      %dot_general3A_663 = tpu.matmul %reshape3A, %get3A_530, %dot_general3A_662 {dimension_numbers = #tpu.dot_dimension_numbers<[1], [0], [0], [1], [0, 0, 1, 1], [], []>, transpose_lhs_hint = false} : vector<2048x128xf32>, vector<128x128xf32>, vector<2048x128xf32> -> vector<2048x128xf32>
      %add3A_664 = vector.broadcast %get3A_535 : vector<1x128xf32> to vector<2048x128xf32>
      %add3A_665 = arith.addf %dot_general3A_663, %add3A_664 : vector<2048x128xf32>
      %mul3A_666 = arith.constant 5.000000e-01 : f32
      %mul3A_667 = vector.broadcast %mul3A_666 : f32 to vector<2048x128xf32>
      %mul3A_668 = arith.mulf %mul3A_667, %add3A_665 : vector<2048x128xf32>
      %tanh3A_669 = math.tanh %mul3A_668 : vector<2048x128xf32>
      %mul3A_670 = arith.mulf %mul3A_668, %tanh3A_669 : vector<2048x128xf32>
      %add3A_671 = arith.addf %mul3A_668, %mul3A_670 : vector<2048x128xf32>
      %dot_general3A_672 = arith.constant dense<0.000000e+00> : vector<2048x128xf32>
      %dot_general3A_673 = tpu.matmul %add3A_671, %get3A_540, %dot_general3A_672 {dimension_numbers = #tpu.dot_dimension_numbers<[1], [0], [0], [1], [0, 0, 1, 1], [], []>, transpose_lhs_hint = false} : vector<2048x128xf32>, vector<128x128xf32>, vector<2048x128xf32> -> vector<2048x128xf32>
      %add3A_674 = vector.broadcast %get3A_545 : vector<1x128xf32> to vector<2048x128xf32>
      %add3A_675 = arith.addf %dot_general3A_673, %add3A_674 : vector<2048x128xf32>
      %mul3A_676 = arith.constant 5.000000e-01 : f32
      %mul3A_677 = vector.broadcast %mul3A_676 : f32 to vector<2048x128xf32>
      %mul3A_678 = arith.mulf %mul3A_677, %add3A_675 : vector<2048x128xf32>
      %tanh3A_679 = math.tanh %mul3A_678 : vector<2048x128xf32>
      %mul3A_680 = arith.mulf %mul3A_678, %tanh3A_679 : vector<2048x128xf32>
      %add3A_681 = arith.addf %mul3A_678, %mul3A_680 : vector<2048x128xf32>
      %dot_general3A_682 = arith.constant dense<0.000000e+00> : vector<2048x1xf32>
      %dot_general3A_683 = tpu.matmul %add3A_681, %get3A_550, %dot_general3A_682 {dimension_numbers = #tpu.dot_dimension_numbers<[1], [0], [0], [1], [0, 0, 1, 1], [], []>, transpose_lhs_hint = false} : vector<2048x128xf32>, vector<128x1xf32>, vector<2048x1xf32> -> vector<2048x1xf32>
      %add3A_684 = vector.broadcast %squeeze3A_557 : f32 to vector<2048x1xf32>
      %add3A_685 = arith.addf %dot_general3A_683, %add3A_684 : vector<2048x1xf32>
      %reshape3A_686 = vector.shape_cast %add3A_685 : vector<2048x1xf32> to vector<16x128xf32>
      %get3A_687 = arith.index_cast %mul3A_639 : i32 to index
      %get3A_688 = arith.constant 0 : index
      %get3A_689 = vector.load %arg27[%get3A_687, %get3A_688] : memref<128x128xf32, #tpu.memory_space<vmem>>, vector<16x128xf32>
      %mul3A_690 = arith.mulf %get3A_689, %reshape3A_686 : vector<16x128xf32>
      %get3A_691 = arith.index_cast %mul3A_639 : i32 to index
      %get3A_692 = arith.constant 0 : index
      %get3A_693 = vector.load %arg24[%get3A_691, %get3A_692] : memref<128x3xf32, #tpu.memory_space<vmem>>, vector<16x3xf32>
      %dot_general3A_694 = arith.constant dense<0.000000e+00> : vector<16x3xf32>
      %dot_general3A_695 = tpu.matmul %mul3A_690, %get3A_519, %dot_general3A_694 {dimension_numbers = #tpu.dot_dimension_numbers<[1], [0], [0], [1], [0, 0, 1, 1], [], []>, transpose_lhs_hint = false} : vector<16x128xf32>, vector<128x3xf32>, vector<16x3xf32> -> vector<16x3xf32>
      %reduce_sum3A_696 = arith.constant dense<0.000000e+00> : vector<16xf32>
      %reduce_sum3A_697 = vector.multi_reduction <add>, %mul3A_690, %reduce_sum3A_696 [1] : vector<16x128xf32> to vector<16xf32>
      %broadcast_in_dim3A_698 = vector.shape_cast %reduce_sum3A_697 : vector<16xf32> to vector<16x1xf32>
      %mul3A_699 = vector.broadcast %broadcast_in_dim3A_698 : vector<16x1xf32> to vector<16x3xf32>
      %mul3A_700 = arith.mulf %mul3A_699, %get3A_693 : vector<16x3xf32>
      %sub3A_701 = arith.subf %dot_general3A_695, %mul3A_700 : vector<16x3xf32>
      %swap3A_702 = arith.index_cast %mul3A_639 : i32 to index
      %swap3A_703 = arith.constant 0 : index
      %swap3A_704 = vector.load %arg29[%swap3A_702, %swap3A_703] : memref<128x3xf32, #tpu.memory_space<vmem>>, vector<16x3xf32>
      tpu.vector_store %arg29[%swap3A_702, %swap3A_703], %sub3A_701 {strides = array<i32>} : memref<128x3xf32, #tpu.memory_space<vmem>>, vector<16x3xf32>,
      %reshape3A_705 = vector.shape_cast %add3A_671 : vector<2048x128xf32> to vector<16x128x128xf32>
      %broadcast_in_dim3A_706 = vector.shape_cast %get3A_689 : vector<16x128xf32> to vector<16x128x1xf32>
      %mul3A_707 = vector.broadcast %broadcast_in_dim3A_706 : vector<16x128x1xf32> to vector<16x128x128xf32>
      %mul3A_708 = arith.mulf %reshape3A_705, %mul3A_707 : vector<16x128x128xf32>
      %reduce_sum3A_709 = arith.constant dense<0.000000e+00> : vector<16x128xf32>
      %reduce_sum3A_710 = vector.multi_reduction <add>, %mul3A_708, %reduce_sum3A_709 [1] : vector<16x128x128xf32> to vector<16x128xf32>
      %swap3A_711 = arith.index_cast %mul3A_639 : i32 to index
      %swap3A_712 = arith.constant 0 : index
      %swap3A_713 = vector.load %arg30[%swap3A_711, %swap3A_712] : memref<128x128xf32, #tpu.memory_space<vmem>>, vector<16x128xf32>
      tpu.vector_store %arg30[%swap3A_711, %swap3A_712], %reduce_sum3A_710 {strides = array<i32>} : memref<128x128xf32, #tpu.memory_space<vmem>>, vector<16x128xf32>,
      %mul3A_714 = arith.constant 2 : i32
      %mul3A_715 = arith.muli %scan3A_635, %mul3A_714 : i32
      %add3A_716 = arith.constant 1 : i32
      %add3A_717 = arith.addi %mul3A_715, %add3A_716 : i32
      %mul3A_718 = arith.constant 16 : i32
      %mul3A_719 = arith.muli %add3A_717, %mul3A_718 : i32
      %get3A_720 = arith.index_cast %mul3A_719 : i32 to index
      %get3A_721 = arith.constant 0 : index
      %get3A_722 = vector.load %arg25[%get3A_720, %get3A_721] : memref<128x128xf32, #tpu.memory_space<vmem>>, vector<16x128xf32>
      %get3A_723 = arith.index_cast %mul3A_719 : i32 to index
      %get3A_724 = arith.constant 0 : index
      %get3A_725 = vector.load %arg32[%get3A_723, %get3A_724] : memref<128x128xf32, #tpu.memory_space<vmem>>, vector<16x128xf32>
      %broadcast_in_dim3A_726 = vector.shape_cast %get3A_725 : vector<16x128xf32> to vector<16x1x128xf32>
      %broadcast_in_dim3A_727 = vector.shape_cast %dot_general3A_506 : vector<128x128xf32> to vector<1x128x128xf32>
      %add3A_728 = vector.broadcast %broadcast_in_dim3A_726 : vector<16x1x128xf32> to vector<16x128x128xf32>
      %add3A_729 = vector.broadcast %broadcast_in_dim3A_727 : vector<1x128x128xf32> to vector<16x128x128xf32>
      %add3A_730 = arith.addf %add3A_728, %add3A_729 : vector<16x128x128xf32>
      %broadcast_in_dim3A_731 = vector.shape_cast %get3A_722 : vector<16x128xf32> to vector<16x128x1xf32>
      %mul3A_732 = vector.broadcast %broadcast_in_dim3A_731 : vector<16x128x1xf32> to vector<16x128x128xf32>
      %mul3A_733 = vector.broadcast %broadcast_in_dim3A_525 : vector<1x1x128xf32> to vector<16x128x128xf32>
      %mul3A_734 = arith.mulf %mul3A_732, %mul3A_733 : vector<16x128x128xf32>
      %add3A_735 = arith.addf %add3A_730, %mul3A_734 : vector<16x128x128xf32>
      %mul3A_736 = arith.constant 5.000000e-01 : f32
      %mul3A_737 = vector.broadcast %mul3A_736 : f32 to vector<16x128x128xf32>
      %mul3A_738 = arith.mulf %mul3A_737, %add3A_735 : vector<16x128x128xf32>
      %tanh3A_739 = math.tanh %mul3A_738 : vector<16x128x128xf32>
      %mul3A_740 = arith.mulf %mul3A_738, %tanh3A_739 : vector<16x128x128xf32>
      %add3A_741 = arith.addf %mul3A_738, %mul3A_740 : vector<16x128x128xf32>
      %reshape3A_742 = vector.shape_cast %add3A_741 : vector<16x128x128xf32> to vector<2048x128xf32>
      %dot_general3A_743 = arith.constant dense<0.000000e+00> : vector<2048x128xf32>
      %dot_general3A_744 = tpu.matmul %reshape3A_742, %get3A_530, %dot_general3A_743 {dimension_numbers = #tpu.dot_dimension_numbers<[1], [0], [0], [1], [0, 0, 1, 1], [], []>, transpose_lhs_hint = false} : vector<2048x128xf32>, vector<128x128xf32>, vector<2048x128xf32> -> vector<2048x128xf32>
      %add3A_745 = vector.broadcast %get3A_535 : vector<1x128xf32> to vector<2048x128xf32>
      %add3A_746 = arith.addf %dot_general3A_744, %add3A_745 : vector<2048x128xf32>
      %mul3A_747 = arith.constant 5.000000e-01 : f32
      %mul3A_748 = vector.broadcast %mul3A_747 : f32 to vector<2048x128xf32>
      %mul3A_749 = arith.mulf %mul3A_748, %add3A_746 : vector<2048x128xf32>
      %tanh3A_750 = math.tanh %mul3A_749 : vector<2048x128xf32>
      %mul3A_751 = arith.mulf %mul3A_749, %tanh3A_750 : vector<2048x128xf32>
      %add3A_752 = arith.addf %mul3A_749, %mul3A_751 : vector<2048x128xf32>
      %dot_general3A_753 = arith.constant dense<0.000000e+00> : vector<2048x128xf32>
      %dot_general3A_754 = tpu.matmul %add3A_752, %get3A_540, %dot_general3A_753 {dimension_numbers = #tpu.dot_dimension_numbers<[1], [0], [0], [1], [0, 0, 1, 1], [], []>, transpose_lhs_hint = false} : vector<2048x128xf32>, vector<128x128xf32>, vector<2048x128xf32> -> vector<2048x128xf32>
      %add3A_755 = vector.broadcast %get3A_545 : vector<1x128xf32> to vector<2048x128xf32>
      %add3A_756 = arith.addf %dot_general3A_754, %add3A_755 : vector<2048x128xf32>
      %mul3A_757 = arith.constant 5.000000e-01 : f32
      %mul3A_758 = vector.broadcast %mul3A_757 : f32 to vector<2048x128xf32>
      %mul3A_759 = arith.mulf %mul3A_758, %add3A_756 : vector<2048x128xf32>
      %tanh3A_760 = math.tanh %mul3A_759 : vector<2048x128xf32>
      %mul3A_761 = arith.mulf %mul3A_759, %tanh3A_760 : vector<2048x128xf32>
      %add3A_762 = arith.addf %mul3A_759, %mul3A_761 : vector<2048x128xf32>
      %dot_general3A_763 = arith.constant dense<0.000000e+00> : vector<2048x1xf32>
      %dot_general3A_764 = tpu.matmul %add3A_762, %get3A_550, %dot_general3A_763 {dimension_numbers = #tpu.dot_dimension_numbers<[1], [0], [0], [1], [0, 0, 1, 1], [], []>, transpose_lhs_hint = false} : vector<2048x128xf32>, vector<128x1xf32>, vector<2048x1xf32> -> vector<2048x1xf32>
      %add3A_765 = vector.broadcast %squeeze3A_557 : f32 to vector<2048x1xf32>
      %add3A_766 = arith.addf %dot_general3A_764, %add3A_765 : vector<2048x1xf32>
      %reshape3A_767 = vector.shape_cast %add3A_766 : vector<2048x1xf32> to vector<16x128xf32>
      %get3A_768 = arith.index_cast %mul3A_719 : i32 to index
      %get3A_769 = arith.constant 0 : index
      %get3A_770 = vector.load %arg27[%get3A_768, %get3A_769] : memref<128x128xf32, #tpu.memory_space<vmem>>, vector<16x128xf32>
      %mul3A_771 = arith.mulf %get3A_770, %reshape3A_767 : vector<16x128xf32>
      %get3A_772 = arith.index_cast %mul3A_719 : i32 to index
      %get3A_773 = arith.constant 0 : index
      %get3A_774 = vector.load %arg24[%get3A_772, %get3A_773] : memref<128x3xf32, #tpu.memory_space<vmem>>, vector<16x3xf32>
      %dot_general3A_775 = arith.constant dense<0.000000e+00> : vector<16x3xf32>
      %dot_general3A_776 = tpu.matmul %mul3A_771, %get3A_519, %dot_general3A_775 {dimension_numbers = #tpu.dot_dimension_numbers<[1], [0], [0], [1], [0, 0, 1, 1], [], []>, transpose_lhs_hint = false} : vector<16x128xf32>, vector<128x3xf32>, vector<16x3xf32> -> vector<16x3xf32>
      %reduce_sum3A_777 = arith.constant dense<0.000000e+00> : vector<16xf32>
      %reduce_sum3A_778 = vector.multi_reduction <add>, %mul3A_771, %reduce_sum3A_777 [1] : vector<16x128xf32> to vector<16xf32>
      %broadcast_in_dim3A_779 = vector.shape_cast %reduce_sum3A_778 : vector<16xf32> to vector<16x1xf32>
      %mul3A_780 = vector.broadcast %broadcast_in_dim3A_779 : vector<16x1xf32> to vector<16x3xf32>
      %mul3A_781 = arith.mulf %mul3A_780, %get3A_774 : vector<16x3xf32>
      %sub3A_782 = arith.subf %dot_general3A_776, %mul3A_781 : vector<16x3xf32>
      %swap3A_783 = arith.index_cast %mul3A_719 : i32 to index
      %swap3A_784 = arith.constant 0 : index
      %swap3A_785 = vector.load %arg29[%swap3A_783, %swap3A_784] : memref<128x3xf32, #tpu.memory_space<vmem>>, vector<16x3xf32>
      tpu.vector_store %arg29[%swap3A_783, %swap3A_784], %sub3A_782 {strides = array<i32>} : memref<128x3xf32, #tpu.memory_space<vmem>>, vector<16x3xf32>,
      %reshape3A_786 = vector.shape_cast %add3A_752 : vector<2048x128xf32> to vector<16x128x128xf32>
      %broadcast_in_dim3A_787 = vector.shape_cast %get3A_770 : vector<16x128xf32> to vector<16x128x1xf32>
      %mul3A_788 = vector.broadcast %broadcast_in_dim3A_787 : vector<16x128x1xf32> to vector<16x128x128xf32>
      %mul3A_789 = arith.mulf %reshape3A_786, %mul3A_788 : vector<16x128x128xf32>
      %reduce_sum3A_790 = arith.constant dense<0.000000e+00> : vector<16x128xf32>
      %reduce_sum3A_791 = vector.multi_reduction <add>, %mul3A_789, %reduce_sum3A_790 [1] : vector<16x128x128xf32> to vector<16x128xf32>
      %swap3A_792 = arith.index_cast %mul3A_719 : i32 to index
      %swap3A_793 = arith.constant 0 : index
      %swap3A_794 = vector.load %arg30[%swap3A_792, %swap3A_793] : memref<128x128xf32, #tpu.memory_space<vmem>>, vector<16x128xf32>
      tpu.vector_store %arg30[%swap3A_792, %swap3A_793], %reduce_sum3A_791 {strides = array<i32>} : memref<128x128xf32, #tpu.memory_space<vmem>>, vector<16x128xf32>,
    }
    %scan3A_562 = arith.constant 4 : i32
    %get3A_563 = arith.constant 0 : index
    %get3A_564 = arith.constant 0 : index
    %get3A_565 = vector.load %arg28[%get3A_563, %get3A_564] : memref<128x1xf32, #tpu.memory_space<vmem>>, vector<128x1xf32>
    %get3A_566 = arith.constant 0 : index
    %get3A_567 = arith.constant 0 : index
    %get3A_568 = vector.load %arg30[%get3A_566, %get3A_567] : memref<128x128xf32, #tpu.memory_space<vmem>>, vector<128x128xf32>
    %div3A_569 = vector.broadcast %get3A_565 : vector<128x1xf32> to vector<128x128xf32>
    %div3A_570 = arith.divf %get3A_568, %div3A_569 : vector<128x128xf32>
    %get3A_571 = arith.constant 2 : index
    %get3A_572 = arith.constant 0 : index
    %get3A_573 = arith.constant 0 : index
    %get3A_574 = vector.load %arg17[%get3A_571, %get3A_572, %get3A_573] : memref<3x128x128xf32, #tpu.memory_space<vmem>>, vector<1x128x128xf32>
    %get3A_575 = vector.shape_cast %get3A_574 : vector<1x128x128xf32> to vector<128x128xf32>
    %dot_general3A_576 = arith.constant dense<0.000000e+00> : vector<128x128xf32>
    %dot_general3A_577 = tpu.matmul %get3A_482, %get3A_575, %dot_general3A_576 {dimension_numbers = #tpu.dot_dimension_numbers<[1], [0], [0], [1], [0, 0, 1, 1], [], []>, transpose_lhs_hint = false} : vector<128x128xf32>, vector<128x128xf32>, vector<128x128xf32> -> vector<128x128xf32>
    %get3A_578 = arith.constant 2 : index
    %get3A_579 = arith.constant 0 : index
    %get3A_580 = arith.constant 0 : index
    %get3A_581 = vector.load %arg18[%get3A_578, %get3A_579, %get3A_580] : memref<3x128x128xf32, #tpu.memory_space<vmem>>, vector<1x128x128xf32>
    %get3A_582 = vector.shape_cast %get3A_581 : vector<1x128x128xf32> to vector<128x128xf32>
    %dot_general3A_583 = arith.constant dense<0.000000e+00> : vector<128x128xf32>
    %dot_general3A_584 = tpu.matmul %div3A_570, %get3A_582, %dot_general3A_583 {dimension_numbers = #tpu.dot_dimension_numbers<[1], [0], [0], [1], [0, 0, 1, 1], [], []>, transpose_lhs_hint = false} : vector<128x128xf32>, vector<128x128xf32>, vector<128x128xf32> -> vector<128x128xf32>
    %add3A_585 = arith.addf %dot_general3A_577, %dot_general3A_584 : vector<128x128xf32>
    %get3A_586 = arith.constant 2 : index
    %get3A_587 = arith.constant 0 : index
    %get3A_588 = arith.constant 0 : index
    %get3A_589 = vector.load %arg19[%get3A_586, %get3A_587, %get3A_588] : memref<3x1x128xf32, #tpu.memory_space<vmem>>, vector<1x1x128xf32>
    %get3A_590 = vector.shape_cast %get3A_589 : vector<1x1x128xf32> to vector<1x128xf32>
    %add3A_591 = vector.broadcast %get3A_590 : vector<1x128xf32> to vector<128x128xf32>
    %add3A_592 = arith.addf %add3A_585, %add3A_591 : vector<128x128xf32>
    %mul3A_593 = arith.constant 5.000000e-01 : f32
    %mul3A_594 = vector.broadcast %mul3A_593 : f32 to vector<128x128xf32>
    %mul3A_595 = arith.mulf %mul3A_594, %add3A_592 : vector<128x128xf32>
    %tanh3A_596 = math.tanh %mul3A_595 : vector<128x128xf32>
    %mul3A_597 = arith.mulf %mul3A_595, %tanh3A_596 : vector<128x128xf32>
    %add3A_598 = arith.addf %mul3A_595, %mul3A_597 : vector<128x128xf32>
    %get3A_599 = arith.constant 2 : index
    %get3A_600 = arith.constant 0 : index
    %get3A_601 = arith.constant 0 : index
    %get3A_602 = vector.load %arg20[%get3A_599, %get3A_600, %get3A_601] : memref<3x128x128xf32, #tpu.memory_space<vmem>>, vector<1x128x128xf32>
    %get3A_603 = vector.shape_cast %get3A_602 : vector<1x128x128xf32> to vector<128x128xf32>
    %dot_general3A_604 = arith.constant dense<0.000000e+00> : vector<128x128xf32>
    %dot_general3A_605 = tpu.matmul %add3A_598, %get3A_603, %dot_general3A_604 {dimension_numbers = #tpu.dot_dimension_numbers<[1], [0], [0], [1], [0, 0, 1, 1], [], []>, transpose_lhs_hint = false} : vector<128x128xf32>, vector<128x128xf32>, vector<128x128xf32> -> vector<128x128xf32>
    %get3A_606 = arith.constant 2 : index
    %get3A_607 = arith.constant 0 : index
    %get3A_608 = arith.constant 0 : index
    %get3A_609 = vector.load %arg21[%get3A_606, %get3A_607, %get3A_608] : memref<3x1x128xf32, #tpu.memory_space<vmem>>, vector<1x1x128xf32>
    %get3A_610 = vector.shape_cast %get3A_609 : vector<1x1x128xf32> to vector<1x128xf32>
    %add3A_611 = vector.broadcast %get3A_610 : vector<1x128xf32> to vector<128x128xf32>
    %add3A_612 = arith.addf %dot_general3A_605, %add3A_611 : vector<128x128xf32>
    %add3A_613 = arith.addf %get3A_482, %add3A_612 : vector<128x128xf32>
    %swap3A_614 = arith.constant 0 : index
    %swap3A_615 = arith.constant 0 : index
    %swap3A_616 = vector.load %arg23[%swap3A_614, %swap3A_615] : memref<128x128xf32, #tpu.memory_space<vmem>>, vector<128x128xf32>
    tpu.vector_store %arg23[%swap3A_614, %swap3A_615], %add3A_613 {strides = array<i32>} : memref<128x128xf32, #tpu.memory_space<vmem>>, vector<128x128xf32>,
    %get3A_617 = arith.constant 0 : index
    %get3A_618 = arith.constant 0 : index
    %get3A_619 = vector.load %arg29[%get3A_617, %get3A_618] : memref<128x3xf32, #tpu.memory_space<vmem>>, vector<128x3xf32>
    %div3A_620 = vector.broadcast %get3A_565 : vector<128x1xf32> to vector<128x3xf32>
    %div3A_621 = arith.divf %get3A_619, %div3A_620 : vector<128x3xf32>
    %add3A_622 = arith.addf %get3A_519, %div3A_621 : vector<128x3xf32>
    %swap3A_623 = arith.constant 0 : index
    %swap3A_624 = arith.constant 0 : index
    %swap3A_625 = vector.load %arg24[%swap3A_623, %swap3A_624] : memref<128x3xf32, #tpu.memory_space<vmem>>, vector<128x3xf32>
    tpu.vector_store %arg24[%swap3A_623, %swap3A_624], %add3A_622 {strides = array<i32>} : memref<128x3xf32, #tpu.memory_space<vmem>>, vector<128x3xf32>,
    %get3A_626 = arith.constant 0 : index
    %get3A_627 = arith.constant 0 : index
    %get3A_628 = vector.load %arg24[%get3A_626, %get3A_627] : memref<128x3xf32, #tpu.memory_space<vmem>>, vector<128x3xf32>
    %swap3A_629 = arith.constant 0 : index
    %swap3A_630 = arith.constant 0 : index
    %swap3A_631 = arith.constant 0 : index
    %swap3A_632 = vector.load %arg22[%swap3A_629, %swap3A_630, %swap3A_631] : memref<1x128x3xf32, #tpu.memory_space<vmem>>, vector<1x128x3xf32>
    %swap3A_633 = vector.shape_cast %swap3A_632 : vector<1x128x3xf32> to vector<128x3xf32>
    %swap3A_634 = vector.shape_cast %get3A_628 : vector<128x3xf32> to vector<1x128x3xf32>
    tpu.vector_store %arg22[%swap3A_629, %swap3A_630, %swap3A_631], %swap3A_634 {strides = array<i32>} : memref<1x128x3xf32, #tpu.memory_space<vmem>>, vector<1x128x3xf32>,
    return
  }
  func.func @transform_0(%arg0: i32) -> (i32, i32, i32) {
    %c0_i32 = arith.constant 0 : i32
    %c0_i32_0 = arith.constant 0 : i32
    %c0_i32_1 = arith.constant 0 : i32
    return %arg0, %c0_i32, %c0_i32_0 : i32, i32, i32
  }
  func.func @transform_1(%arg0: i32) -> (i32, i32, i32) {
    %c0_i32 = arith.constant 0 : i32
    %c0_i32_0 = arith.constant 0 : i32
    %c0_i32_1 = arith.constant 0 : i32
    return %arg0, %c0_i32, %c0_i32_0 : i32, i32, i32
  }
  func.func @transform_2(%arg0: i32) -> (i32, i32, i32) {
    %c0_i32 = arith.constant 0 : i32
    %c0_i32_0 = arith.constant 0 : i32
    %c0_i32_1 = arith.constant 0 : i32
    return %arg0, %c0_i32, %c0_i32_0 : i32, i32, i32
  }
  func.func @transform_3(%arg0: i32) -> (i32, i32, i32) {
    %c0_i32 = arith.constant 0 : i32
    %c0_i32_0 = arith.constant 0 : i32
    %c0_i32_1 = arith.constant 0 : i32
    return %arg0, %c0_i32, %c0_i32_0 : i32, i32, i32
  }
  func.func @transform_4(%arg0: i32) -> (i32, i32, i32) {
    %c0_i32 = arith.constant 0 : i32
    %c0_i32_0 = arith.constant 0 : i32
    %c0_i32_1 = arith.constant 0 : i32
    return %arg0, %c0_i32, %c0_i32_0 : i32, i32, i32
  }
  func.func @transform_5(%arg0: i32) -> (i32, i32) {
    %c0_i32 = arith.constant 0 : i32
    %c0_i32_0 = arith.constant 0 : i32
    %c0_i32_1 = arith.constant 0 : i32
    return %c0_i32, %c0_i32_0 : i32, i32
  }
  func.func @transform_6(%arg0: i32) -> (i32, i32, i32) {
    %c0_i32 = arith.constant 0 : i32
    %c0_i32_0 = arith.constant 0 : i32
    %c0_i32_1 = arith.constant 0 : i32
    %c0_i32_2 = arith.constant 0 : i32
    return %c0_i32, %c0_i32_0, %c0_i32_1 : i32, i32, i32
  }
  func.func @transform_7(%arg0: i32) -> (i32, i32, i32) {
    %c0_i32 = arith.constant 0 : i32
    %c0_i32_0 = arith.constant 0 : i32
    %c0_i32_1 = arith.constant 0 : i32
    %c0_i32_2 = arith.constant 0 : i32
    return %c0_i32, %c0_i32_0, %c0_i32_1 : i32, i32, i32
  }
  func.func @transform_8(%arg0: i32) -> (i32, i32, i32) {
    %c0_i32 = arith.constant 0 : i32
    %c0_i32_0 = arith.constant 0 : i32
    %c0_i32_1 = arith.constant 0 : i32
    %c0_i32_2 = arith.constant 0 : i32
    return %c0_i32, %c0_i32_0, %c0_i32_1 : i32, i32, i32
  }
  func.func @transform_9(%arg0: i32) -> (i32, i32, i32) {
    %c0_i32 = arith.constant 0 : i32
    %c0_i32_0 = arith.constant 0 : i32
    %c0_i32_1 = arith.constant 0 : i32
    %c0_i32_2 = arith.constant 0 : i32
    return %c0_i32, %c0_i32_0, %c0_i32_1 : i32, i32, i32
  }
  func.func @transform_10(%arg0: i32) -> (i32, i32, i32) {
    %c0_i32 = arith.constant 0 : i32
    %c0_i32_0 = arith.constant 0 : i32
    %c0_i32_1 = arith.constant 0 : i32
    %c0_i32_2 = arith.constant 0 : i32
    return %c0_i32, %c0_i32_0, %c0_i32_1 : i32, i32, i32
  }
  func.func @transform_11(%arg0: i32) -> (i32, i32, i32) {
    %c0_i32 = arith.constant 0 : i32
    %c0_i32_0 = arith.constant 0 : i32
    %c0_i32_1 = arith.constant 0 : i32
    %c0_i32_2 = arith.constant 0 : i32
    return %c0_i32, %c0_i32_0, %c0_i32_1 : i32, i32, i32
  }
  func.func @transform_12(%arg0: i32) -> (i32, i32, i32) {
    %c0_i32 = arith.constant 0 : i32
    %c0_i32_0 = arith.constant 0 : i32
    %c0_i32_1 = arith.constant 0 : i32
    %c0_i32_2 = arith.constant 0 : i32
    return %c0_i32, %c0_i32_0, %c0_i32_1 : i32, i32, i32
  }
  func.func @transform_13(%arg0: i32) -> (i32, i32, i32) {
    %c0_i32 = arith.constant 0 : i32
    %c0_i32_0 = arith.constant 0 : i32
    %c0_i32_1 = arith.constant 0 : i32
    %c0_i32_2 = arith.constant 0 : i32
    return %c0_i32, %c0_i32_0, %c0_i32_1 : i32, i32, i32
  }
  func.func @transform_14(%arg0: i32) -> (i32, i32, i32) {
    %c0_i32 = arith.constant 0 : i32
    %c0_i32_0 = arith.constant 0 : i32
    %c0_i32_1 = arith.constant 0 : i32
    %c0_i32_2 = arith.constant 0 : i32
    return %c0_i32, %c0_i32_0, %c0_i32_1 : i32, i32, i32
  }
  func.func @transform_15(%arg0: i32) -> (i32, i32, i32) {
    %c0_i32 = arith.constant 0 : i32
    %c0_i32_0 = arith.constant 0 : i32
    %c0_i32_1 = arith.constant 0 : i32
    %c0_i32_2 = arith.constant 0 : i32
    return %c0_i32, %c0_i32_0, %c0_i32_1 : i32, i32, i32
  }
  func.func @transform_16(%arg0: i32) -> (i32, i32, i32) {
    %c0_i32 = arith.constant 0 : i32
    %c0_i32_0 = arith.constant 0 : i32
    %c0_i32_1 = arith.constant 0 : i32
    %c0_i32_2 = arith.constant 0 : i32
    return %c0_i32, %c0_i32_0, %c0_i32_1 : i32, i32, i32
  }
  func.func @transform_17(%arg0: i32) -> (i32, i32, i32) {
    %c0_i32 = arith.constant 0 : i32
    %c0_i32_0 = arith.constant 0 : i32
    %c0_i32_1 = arith.constant 0 : i32
    %c0_i32_2 = arith.constant 0 : i32
    return %c0_i32, %c0_i32_0, %c0_i32_1 : i32, i32, i32
  }
  func.func @transform_18(%arg0: i32) -> (i32, i32, i32) {
    %c0_i32 = arith.constant 0 : i32
    %c0_i32_0 = arith.constant 0 : i32
    %c0_i32_1 = arith.constant 0 : i32
    %c0_i32_2 = arith.constant 0 : i32
    return %c0_i32, %c0_i32_0, %c0_i32_1 : i32, i32, i32
  }
  func.func @transform_19(%arg0: i32) -> (i32, i32, i32) {
    %c0_i32 = arith.constant 0 : i32
    %c0_i32_0 = arith.constant 0 : i32
    %c0_i32_1 = arith.constant 0 : i32
    %c0_i32_2 = arith.constant 0 : i32
    return %c0_i32, %c0_i32_0, %c0_i32_1 : i32, i32, i32
  }
  func.func @transform_20(%arg0: i32) -> (i32, i32, i32) {
    %c0_i32 = arith.constant 0 : i32
    %c0_i32_0 = arith.constant 0 : i32
    %c0_i32_1 = arith.constant 0 : i32
    %c0_i32_2 = arith.constant 0 : i32
    return %c0_i32, %c0_i32_0, %c0_i32_1 : i32, i32, i32
  }
  func.func @transform_21(%arg0: i32) -> (i32, i32, i32) {
    %c0_i32 = arith.constant 0 : i32
    %c0_i32_0 = arith.constant 0 : i32
    %c0_i32_1 = arith.constant 0 : i32
    return %arg0, %c0_i32, %c0_i32_0 : i32, i32, i32
  }
}

</mosaic_0001>

<sc_bundles>
// kernel: gather_offload_async_start.1
scs
__scs_entry_jumppad:
0x0: {  	(pc) =	sbr.rel $0x88, $3  }
0x1: {  	(tag) =	ssettag $0x0;
	lr =	simm.s32 $0x1  }
0x2: {  	[smem:$0x3F7A] =	sst lr;
	_ =	strace $0xD0000000  }
0x3: {  	_ = 	snop  }
0x4: {  	_ = 	snop  }
0x5: {  	_ = 	snop  }
0x6: {  	_ = 	snop  }
0x7: {  	_ = 	snop  }
__scs_overlays_trampoline_lowered:
0x8: {  	[smem:$0x3F89] =	sst s0  }
0x9: {  	[smem:$0x3F8A] =	sst s1  }
0xa: {  	[smem:$0x3F8B] =	sst s2  }
0xb: {  	[smem:$0x3F8C] =	sst s3  }
0xc: {  	[smem:$0x3F8D] =	sst s4  }
0xd: {  	[smem:$0x3F8E] =	sst s5  }
0xe: {  	[smem:$0x3F8F] =	sst s6  }
0xf: {  	[smem:$0x3F90] =	sst s7  }
0x10: {  	[smem:$0x3F91] =	sst s8  }
0x11: {  	[smem:$0x3F92] =	sst s9;
	s0 =	simm.s32 @!p0 $0x0  }
0x12: {  	s1 =	sld [smem:$0x3F78];
	s0 =	simm.s32 @p0 $0x1  }
0x13: {  	[smem:$0x3F93] =	sst s0;
	s0 =	simm.s32 @!p1 $0x0  }
0x14: {  	s2 =	sld [smem:$0x3F77];
	s0 =	simm.s32 @p1 $0x1  }
0x15: {  	[smem:$0x3F94] =	sst s0;
	s0 =	simm.s32 @!p2 $0x0  }
0x16: {  	s3 =	sld [smem:$0x3FDB];
	s0 =	simm.s32 @p2 $0x1  }
0x17: {  	s4 =	simm.s32 $0x1BF5;
	[smem:$0x3F96] =	sst s0  }
0x18: {  	s0 =	sld [smem:$0x3F79];
	_ =	swait.ge [sflag:s4], $0x0  }
0x19: {  	s7 =	sld [smem:$0x3F7A]  }
0x1a: {  	s8 =	sadd.s32 $0xFFFFE003, lr  }
0x1b: {  	s9 =	sadd.s32 $0xFFFFFEF7, lr;
	s5 =	simm.s32 $0xFFFFFFFF;
	p2 =	slt.u32 s8, $0xFFFFF086  }
0x1c: {  	p1 =	slt.u32 s9, $0xF7A;
	s5 =	simm.s32 @!p2 $0x0  }
0x1d: {  	s5 =	simm.s32 @p1 $0x1;
	p0 =	seq.s32 s7, s2  }
0x1e: {  	s7 =	smul.u32 @!p0 $0xF7A, s2;
	p2 =	seq.s32 @!p0 s5, $0x0  }
0x1f: {  	s9 =	smul.u32 $0xF7A, s1;
	s8 =	simm.s32 @!p0 $0x1BF5;
	p2 =	por !p2, p0  }
0x20: {  	[sflag:s8] =	ssyncset.s32 @!p0 $0xFFFFF086;
	s6 =	sadd.s32 @!p0 s3, s7;
	s7 =	simm.s32 @!p0 $0x108  }
0x21: {  	s3 =	sadd.s32 s3, s9;
	s6 =	sadd.s32 @!p0 $0x88, s6;
	s7 =	simm.s32 @p2 $0x1082  }
0x22: {  	[simem:s7], [sflag:s8] =	dma.local @!p0 [hbm:s6], $0xF7A  }
0x23: {  	s9 =	sor.u32 $0xD0000000, s2;
	s6 =	simm.s32 $0x108;
	_ =	swait.ge @!p0 [sflag:s8], $0x0  }
0x24: {  	s3 =	sadd.s32 $0x88, s3;
	s6 =	simm.s32 @!p1 $0x1082;
	[sflag:s4] =	ssyncset.s32 $0xFFFFF086  }
0x25: {  	[simem:s6], [sflag:s4] =	dma.local [hbm:s3], $0xF7A  }
0x26: {  	[smem:$0x3F7A] =	sst s1;
	(tag) =	ssettag s2;
	_ =	strace s9  }
0x27: {  	s1 =	sld [smem:$0x3F8A]  }
0x28: {  	s2 =	sld [smem:$0x3F8B]  }
0x29: {  	s4 =	sld [smem:$0x3F8D]  }
0x2a: {  	p0 =	seq.s32 s5, $0x0;
	s5 =	sld [smem:$0x3F8E]  }
0x2b: {  	s6 =	sld [smem:$0x3F8F]  }
0x2c: {  	s7 =	sld [smem:$0x3F90]  }
0x2d: {  	s3 =	simm.s32 $0x108;
	s8 =	sld [smem:$0x3F91]  }
0x2e: {  	s3 =	simm.s32 @!p0 $0x1082;
	s9 =	sld [smem:$0x3F92]  }
0x2f: {  	lr =	sadd.s32 s0, s3;
	s0 =	sld [smem:$0x3F89]  }
0x30: {  	s3 =	sld [smem:$0x3F8C]  }
0x31: {  	[smem:$0x3F95] =	sst s10  }
0x32: {  	s10 =	sld [smem:$0x3F93];
	_ =	sdelay $0x3  }
0x33: {  	p0 =	seq.s32 s10, $0x1;
	s10 =	sld [smem:$0x3F95];
	_ =	sdelay $0x3  }
0x34: {  	[smem:$0x3F95] =	sst s10  }
0x35: {  	s10 =	sld [smem:$0x3F94];
	_ =	sdelay $0x3  }
0x36: {  	p1 =	seq.s32 s10, $0x1;
	s10 =	sld [smem:$0x3F95];
	_ =	sdelay $0x3  }
0x37: {  	[smem:$0x3F95] =	sst s10  }
0x38: {  	s10 =	sld [smem:$0x3F96]  }
0x39: {  	_ = 	snop;
	(pc) =	sbr.ind lr, $3  }
0x3a: {  	_ = 	snop  }
0x3b: {  	_ = 	snop  }
0x3c: {  	p2 =	seq.s32 s10, $0x1;
	s10 =	sld [smem:$0x3F95]  }
0x3d: {  	_ =	shalt  }
0x3e: {  	_ =	shalt  }
0x3f: {  	_ =	shalt  }
0x40: {  	_ =	shalt  }
0x41: {  	_ =	shalt  }
0x42: {  	_ =	shalt  }
0x43: {  	_ =	shalt  }
0x44: {  	_ =	shalt  }
0x45: {  	_ =	shalt  }
0x46: {  	_ =	shalt  }
0x47: {  	_ =	shalt  }
0x48: {  	_ =	shalt  }
0x49: {  	_ =	shalt  }
0x4a: {  	_ =	shalt  }
0x4b: {  	_ =	shalt  }
0x4c: {  	_ =	shalt  }
0x4d: {  	_ =	shalt  }
0x4e: {  	_ =	shalt  }
0x4f: {  	_ =	shalt  }
0x50: {  	_ =	shalt  }
0x51: {  	_ =	shalt  }
0x52: {  	_ =	shalt  }
0x53: {  	_ =	shalt  }
0x54: {  	_ =	shalt  }
0x55: {  	_ =	shalt  }
0x56: {  	_ =	shalt  }
0x57: {  	_ =	shalt  }
0x58: {  	_ =	shalt  }
0x59: {  	_ =	shalt  }
0x5a: {  	_ =	shalt  }
0x5b: {  	_ =	shalt  }
0x5c: {  	_ =	shalt  }
0x5d: {  	_ =	shalt  }
0x5e: {  	_ =	shalt  }
0x5f: {  	_ =	shalt  }
0x60: {  	_ =	shalt  }
0x61: {  	_ =	shalt  }
0x62: {  	_ =	shalt  }
0x63: {  	_ =	shalt  }
0x64: {  	_ =	shalt  }
0x65: {  	_ =	shalt  }
0x66: {  	_ =	shalt  }
0x67: {  	_ =	shalt  }
0x68: {  	_ =	shalt  }
0x69: {  	_ =	shalt  }
0x6a: {  	_ =	shalt  }
0x6b: {  	_ =	shalt  }
0x6c: {  	_ =	shalt  }
0x6d: {  	_ =	shalt  }
0x6e: {  	_ =	shalt  }
0x6f: {  	_ =	shalt  }
0x70: {  	_ =	shalt  }
0x71: {  	_ =	shalt  }
0x72: {  	_ =	shalt  }
0x73: {  	_ =	shalt  }
0x74: {  	_ =	shalt  }
0x75: {  	_ =	shalt  }
0x76: {  	_ =	shalt  }
0x77: {  	_ =	shalt  }
0x78: {  	_ =	shalt  }
0x79: {  	_ =	shalt  }
0x7a: {  	_ =	shalt  }
0x7b: {  	_ =	shalt  }
0x7c: {  	_ =	shalt  }
0x7d: {  	_ =	shalt  }
0x7e: {  	_ =	shalt  }
0x7f: {  	_ =	shalt  }
0x80: {  	_ =	shalt  }
0x81: {  	_ =	shalt  }
0x82: {  	_ =	shalt  }
0x83: {  	_ =	shalt  }
0x84: {  	_ =	shalt  }
0x85: {  	_ =	shalt  }
0x86: {  	_ =	shalt  }
0x87: {  	_ =	shalt  }
.Lfunc_end0:
.L_simem_size_0:
called_computation.1_lowered:
.L_overlay_start_0:
0x88: {  	s2 =	sld [smem:$0x3FD9]  }
0x89: {  	s3 =	sld [smem:$0x3FFE];
	_ =	sdelay $0x1  }
0x8a: {  	s1 =	srdreg.scid  }
0x8b: {  	s0 =	sand.u32 $0x1, s1  }
0x8c: {  	s17 =	sshll.u32 s0, $0xA;
	s2 =	sadd.s32 s3, s2  }
0x8d: {  	s2 =	sadd.s32 s2, s17  }
0x8e: {  	[smem:$0x3FA1] =	sst s2  }
0x8f: {  	_ = 	snop  }
0x90: {  	s2 =	sld [smem:$0x3FC8]  }
0x91: {  	s18 =	sld [smem:$0x3FD0];
	(tm) =	ssettm $0x1  }
0x92: {  	s4 =	sld [smem:$0x3FFB];
	_ =	sdelay $0x3  }
0x93: {  	_ =	strace s4  }
0x94: {  	s4 =	sld [smem:$0x3FFC];
	_ =	sdelay $0x3  }
0x95: {  	_ =	strace s4  }
0x96: {  	s4 =	sld [smem:$0x3FFD];
	_ =	sdelay $0x3  }
0x97: {  	_ =	strace s4  }
0x98: {  	_ =	strace $0x8FFFFFFF  }
0x99: {  	s19 =	sld [smem:$0x3FDB];
	_ =	sdelay $0x1  }
0x9a: {  	s5 =	simm.s32 $_scs_section_size  }
0x9b: {  	s6 =	simm.s32 $_size__tile_overlayer_lowered;
	s7 =	simm.s32 $_tile_overlayer_lowered  }
0x9c: {  	s22 =	simm.s32 $0x1BFF;
	s21 =	sshll.u32 s7, $0x1;
	s4 =	sadd.s32 s5, s19  }
0x9d: {  	s8 =	simm.s32 $0x0;
	s20 =	sshll.u32 s6, $0x1;
	s6 =	sadd.s32 s21, s4  }
0x9e: {  	[timem:s8], [sflag:s22] =	dma.local [hbm:s6], s20  }
0x9f: {  	_ =	swait.ge [sflag:s22], s20  }
0xa0: {  	s5 =	ssub.s32 $0x0, s20;
	[sflag:s22] =	ssyncset.done $0x0  }
0xa1: {  	[sflag:s22] =	ssyncadd.s32 s5;
	_ =	sdelay $0x1  }
0xa2: {  	s23 =	simm.s32 $0x1B8B  }
0xa3: {  	_ =	swait.ge [sflag:s23], $0x1  }
0xa4: {  	[sflag:s23] =	ssyncset.done $0x0  }
0xa5: {  	s25 =	simm.s32 $0x1B8E;
	s24 =	sld [smem:$0x3FFE];
	[sflag:s23] =	ssyncadd.s32 $0xFFFFFFFF  }
0xa6: {  	s26 =	simm.s32 $execute0_lowered;
	[smem:$0x3FD2] =	sst s25  }
0xa7: {  	s6 =	sshll.u32 s26, $0x1;
	_ =	strace $0x80000046;
	[dreg:$0x1] =	wrdreg $0xFFFFFFFF  }
0xa8: {  	s28 =	simm.s32 $_size_execute0_lowered;
	s4 =	sadd.s32 s4, s6;
	[dreg:$0x0] =	wrdreg $0x0  }
0xa9: {  	s6 =	sshll.u32 s28, $0x1;
	[dreg:$0x2] =	wrdreg s4  }
0xaa: {  	[dreg:$0x3] =	wrdreg s6  }
0xab: {  	[dreg:$0x4] =	wrdreg $0xC0  }
0xac: {  	_ =	task [dreg:s8], $0x5FFFF  }
0xad: {  	[dreg:$0x1] =	wrdreg $0xFFFFFFFF  }
0xae: {  	[dreg:$0x0] =	wrdreg $0x60  }
0xaf: {  	[dreg:$0x2] =	wrdreg s2  }
0xb0: {  	[dreg:$0x3] =	wrdreg s18  }
0xb1: {  	[dreg:$0x4] =	wrdreg s24  }
0xb2: {  	[dreg:$0x5] =	wrdreg $0xA  }
0xb3: {  	_ =	task.clear_ibuf [dreg:s8], $0x6FFFF;
	_ =	strace $0x90000046  }
0xb4: {  	s29 =	simm.s32 $0xA;
	_ =	strace $0x80000048  }
0xb5: {  	_ =	swait.ge [sflag:s29], $0x1  }
0xb6: {  	[sflag:s29] =	ssyncadd.s32 $0xFFFFFFFF  }
0xb7: {  	_ =	strace $0x90000048  }
0xb8: {  	_ =	sfence  }
0xb9: {  	s30 =	sld [smem:$0x0];
	_ =	sdelay $0x2  }
0xba: {  	s31 =	sshll.u32 s1, $0xD;
	s1 =	sshrl.u32 s1, $0x2  }
0xbb: {  	s3 =	sand.u32 $0x4000, s31;
	s1 =	sadd.s32 s1, s30  }
0xbc: {  	s0 =	sor.u32 s3, s0;
	s1 =	sshll.u32 s1, $0x11  }
0xbd: {  	s0 =	sor.u32 s1, s0  }
0xbe: {  	s0 =	sadd.s32 $0x8F2B, s0  }
0xbf: {  	[sflag:s0] =	ssyncadd.remote.s32 $0x1  }
0xc0: {  	_ =	sfence.sel $0xFFFF  }
0xc1: {  	[dreg:$0x0] =	wrdreg $0xFFFFFFFF;
	(pc) =	sbr.abs _section_cstart, $3  }
0xc2: {  	[dreg:$0x1] =	wrdreg $0xFFFFFFFF  }
0xc3: {  	_ =	task.clear_ibuf [dreg:s8], $0x2FFFF;
	_ =	strace $0x9FFFFFFF  }
0xc4: {  	(tm) =	ssettm $0x7FFFFFFF  }
0xc5: {  	_ =	shalt  }
tec
execute0_lowered:
.L_overlay_start_1:
0x0: {  	(tag) =	ssettag $0x1  }
0x1: {  	s2 =	rddreg [dreg:$0x0]  }
0x2: {  	s1 =	srdreg.scid;
	s3 =	rddreg [dreg:$0x1]  }
0x3: {  	s0 =	stileid.u32;
	s5 =	rddreg [dreg:$0x2]  }
0x4: {  	s9 =	simm.s32 $0x1;
	s10 =	simm.s32 $0x3;
	s1 =	sshll.u32 s1, $0x7  }
0x5: {  	s13 =	simm.s32 $0x0;
	s4 =	sshll.u32 s0, $0x8;
	s6 =	sand.u32 $0x80, s1  }
0x6: {  	s12 =	simm.s32 $0x0;
	s5 =	sadd.s32 $0x25E00, s5;
	s4 =	sor.u32 s4, s6  }
0x7: {  	s1 =	rddreg [dreg:$0x3];
	_ =	strace $0x80000047;
	s8 =	ssub.s32 $0x2000, s4  }
.Ltmp0:
0x8: {  	s6 =	simm.s32 $0x1;
	s7 =	sand.u32 $0xF80, s8;
	(pc) =	sbr.rel .LBB2_1-.Ltmp0, $4  }
0x9: {  	[sflag:s6] =	ssyncpa.u1 $0x0;
	s11 =	smov.u32 s4;
	p0 =	sne.s32 s7, $0x0  }
0xa: {  	s8 =	sshrl.u32 s8, $0xC;
	s7 =	simm.s32 $0x2;
	s9 =	simm.s32 @!p0 $0x0  }
0xb: {  	[sflag:s7] =	ssyncpa.u1 $0x0;
	p0 =	por $0x0, $0x0;
	s8 =	sadd.s32 s9, s8  }
0xc: {  	vm0 =	vmmov $0xffff;
	[sflag:s10] =	ssyncpa.u1 $0x0;
	s10 =	simm.s32 $0x0;
	s9 =	sadd.s32 $0x1, s8  }
.LBB2_4:
0xd: {  	v2 =	vnsel vm1, $0x0, v2  }
0xe: {  	vm1 =	vgt.s32 v0, $0x0;
	v2 =	vmin.u32 v2, $0x1FBF  }
0xf: {  	v0 =	vnsel vm1, $0x0, v0  }
0x10: {  	v0 =	vmin.u32 v0, $0x1FBF  }
0x11: {  	[tilespmem:s15], [sflag:$0x1] =	stream.indirect_vreg.gather [hbm4b:s2+s10], $0x1, v1, vm0, $0x4038;
	[tilespmem:$0x200] =	vst v63  }
0x12: {  	(ifvalue) =	ssetifvalue $0x7FFFFFFF  }
0x13: {  	[tilespmem:s16], [sflag:$0x1] =	stream.indirect_vreg.gather [hbm4b:s2+s10], $0x1, v2, vm0, $0x4038;
	[tilespmem:$0x200] =	vst v63  }
0x14: {  	s29 =	sadd.s32 $0x10, s16;
	(ifvalue) =	ssetifvalue $0x7FFFFFFF  }
0x15: {  	[tilespmem:s29], [sflag:$0x1] =	stream.indirect_vreg.gather [hbm4b:s2+s10], $0x1, v0, vm0, $0x4038;
	[tilespmem:$0x200] =	vst v63  }
0x16: {  	_ =	swait.ge [sflag:s6], $0x80  }
0x17: {  	s30 =	sshrl.u32 s13, $0x3;
	[sflag:s6] =	ssyncset.done $0x0  }
0x18: {  	s31 =	sand.u32 $0x7, s13;
	s15 =	sadd.s32 s5, s30;
	[sflag:s6] =	ssyncadd.s32 $0xFFFFFF80  }
0x19: {  	[hbm4b:s15+s31] =	stream.linear.scatter [tilespmem:s14], [sflag:$0x3], $0x80, $0x38;
	[tilespmem:$0x200] =	vst v63  }
.LBB2_5:
0x1a: {  	s15 =	sadd.s32 $0x1000, s11  }
0x1b: {  	p2 =	sgt.s32 s15, $0x1FFF  }
0x1c: {  	s15 =	smov.u32 @p2 s4;
	p2 =	sne.s32 s12, s9  }
.Ltmp1:
0x1d: {  	p1 =	slt.u32 s12, $0x2;
	(pc) =	sbr.rel @!p2 .LBB2_6-.Ltmp1, $4  }
0x1e: {  	s14 =	simm.s32 @!p1 $0x3  }
0x1f: {  	s16 =	sadd.s32 $0x1, s12;
	_ =	swait.ge @!p1 [sflag:s14], $0x80  }
0x20: {  	s13 =	smov.u32 s11;
	p0 =	por !p0, !p0;
	[sflag:s14] =	ssyncset.done @!p1 $0x0  }
0x21: {  	s12 =	smov.u32 s16;
	s11 =	smov.u32 s15;
	[sflag:s14] =	ssyncadd.s32 @!p1 $0xFFFFFF80  }
.LBB2_1:
0x22: {  	p1 =	sge.u32 s12, s8  }
0x23: {  	s14 =	sxor.u32 @!p1 $0xFFFFFFFF, s12  }
0x24: {  	s31 =	sadd.s32 $0xFFFFFFFF, s12;
	s15 =	sshrl.u32 @!p1 s11, $0x3;
	s14 =	sshll.u32 @!p1 s14, $0x7  }
0x25: {  	s16 =	sand.u32 @!p1 $0x7, s11;
	s15 =	sadd.s32 @!p1 s3, s15;
	s14 =	sand.u32 @!p1 $0x80, s14  }
0x26: {  	[tilespmem:s14], [sflag:$0x2] =	stream.linear.gather @!p1 [hbm4b:s15+s16], $0x80, $0x38;
	[tilespmem:$0x200] =	vst v63  }
0x27: {  	p1 =	sge.u32 s31, s8  }
.Ltmp2:
0x28: {  	_ = 	snop;
	(pc) =	sbr.rel @p1 .LBB2_5-.Ltmp2, $1  }
0x29: {  	_ =	sdelay $0x3  }
0x2a: {  	s14 =	simm.s32 $0x1  }
0x2b: {  	_ =	swait.ge [sflag:s7], $0x80;
	s14 =	simm.s32 @!p0 $0x0  }
0x2c: {  	[sflag:s7] =	ssyncset.done $0x0;
	s14 =	sshll.u32 s14, $0x7  }
0x2d: {  	[sflag:s7] =	ssyncadd.s32 $0xFFFFFF80;
	(ifvalue) =	ssetifvalue $0x7FFFFFFF;
	v0 =	vld.msk [tilespmem:s14+$0x0 ss:$0x1], $0xffff;
	_ =	sdelay $0x4  }
0x2e: {  	s15 =	sadd.s32 $0x10, s14;
	vm1 =	vgt.s32 v0, $0x0  }
0x2f: {  	v2 =	vld.msk [tilespmem:s15+$0x0 ss:$0x1], $0xffff;
	v1 =	vnsel vm1, $0x0, v0  }
0x30: {  	v1 =	vmin.u32 v1, $0x1FBF;
	_ =	sdelay $0x1  }
0x31: {  	s16 =	sshll.u32 s12, $0x7;
	s18 =	simm.s32 $0x20  }
0x32: {  	s16 =	sand.u32 $0x80, s16;
	s17 =	sadd.s32 $0x10, s15;
	s15 =	sor.u32 $0x100, s14  }
0x33: {  	s14 =	sor.u32 $0x100, s16;
	s16 =	sadd.s32 $0x10, s15;
	v0 =	vld.msk [tilespmem:s17+$0x0 ss:$0x1], $0xffff;
	vm1 =	vgt.s32 v2, $0x0;
	(ifvalue) =	ssetifvalue $0x7FFFFFFF  }
.LBB2_3:
0x34: {  	[tilespmem:s15], [sflag:$0x1] =	stream.indirect_vreg.gather [hbm4b:s2+s10], $0x1, v1, vm0, $0x4038;
	[tilespmem:$0x200] =	vst v63  }
0x35: {  	s18 =	sadd.s32 $0x10, s18  }
0x36: {  	v2 =	vnsel vm1, $0x0, v2;
	p1 =	slt.u32 s18, $0x70  }
.Ltmp3:
0x37: {  	s15 =	smov.u32 s16;
	v1 =	vmin.u32 v2, $0x1FBF;
	(pc) =	sbr.rel @p1 .LBB2_3-.Ltmp3, $3  }
0x38: {  	_ =	sdelay $0x1  }
0x39: {  	s17 =	sadd.s32 $0x10, s17  }
0x3a: {  	vm1 =	vgt.s32 v0, $0x0;
	s16 =	sadd.s32 $0x10, s16;
	v2 =	vmov v0;
	(ifvalue) =	ssetifvalue $0x7FFFFFFF;
	v0 =	vld.msk [tilespmem:s17+$0x0 ss:$0x1], $0xffff  }
.Ltmp4:
0x3b: {  	_ = 	snop;
	(pc) =	sbr.rel .LBB2_4-.Ltmp4, $1  }
0x3c: {  	_ =	sdelay $0x3  }
.LBB2_6:
0x3d: {  	_ =	sfence.sel $0x180000  }
0x3e: {  	s2 =	simm.s32 $0x2;
	[bflag:$0x0] =	sbarrier.arrive $0xFFFF  }
0x3f: {  	s30 =	simm.s32 $0x3;
	[sflag:s2] =	ssyncpa.u1 $0x1  }
0x40: {  	s31 =	simm.s32 $0x1;
	[sflag:s30] =	ssyncpa.u1 $0x1  }
0x41: {  	[sflag:s31] =	ssyncpa.u1 $0x1  }
0x42: {  	p0 =	sne.s32 s0, $0x0;
	_ =	strace $0x90000047  }
0x43: {  	s0 =	sadd.s32 @!p0 $0x100000, s1;
	[bflag:$0x2] =	sbarrier.arrive $0xFFFF  }
0x44: {  	[sflag:s0] =	ssyncadd.tile.s32 @!p0 $0x1;
	_ =	shalt  }
.Lfunc_end2:
_tile_overlayer_lowered:
.L_overlay_start_2:
0x45: {  	(tag) =	ssettag $0x2  }
0x46: {  	s0 =	rddreg [dreg:$0x0];
	s2 =	stileid.u32  }
0x47: {  	s1 =	rddreg [dreg:$0x1];
	p0 =	sne.s32 s2, $0x0  }
0x48: {  	s3 =	rddreg [dreg:$0x2];
	[bflag:$0x3] =	sbarrier.arrive $0xFFFF;
	s2 =	simm.s32 @!p0 $0x1C01  }
0x49: {  	[timem:s3], [sflag:s2] =	dma.local @!p0 [hbm:s0], s1  }
0x4a: {  	s0 =	simm.s32 @!p0 $0x1  }
0x4b: {  	_ =	swait.ge @!p0 [sflag:s0], s1  }
0x4c: {  	s1 =	ssub.s32 @!p0 $0x0, s1;
	[sflag:s0] =	ssyncset.done @!p0 $0x0  }
0x4d: {  	[sflag:s0] =	ssyncadd.s32 @!p0 s1  }
0x4e: {  	[bflag:$0x3] =	sbarrier.arrive $0xFFFF  }
0x4f: {  	_ =	shalt  }

// kernel: gather_offload_async_start.2
scs
__scs_entry_jumppad:
0x0: {  	(pc) =	sbr.rel $0x88, $3  }
0x1: {  	(tag) =	ssettag $0x0;
	lr =	simm.s32 $0x1  }
0x2: {  	[smem:$0x3F7A] =	sst lr;
	_ =	strace $0xD0000000  }
0x3: {  	_ = 	snop  }
0x4: {  	_ = 	snop  }
0x5: {  	_ = 	snop  }
0x6: {  	_ = 	snop  }
0x7: {  	_ = 	snop  }
__scs_overlays_trampoline_lowered:
0x8: {  	[smem:$0x3F89] =	sst s0  }
0x9: {  	[smem:$0x3F8A] =	sst s1  }
0xa: {  	[smem:$0x3F8B] =	sst s2  }
0xb: {  	[smem:$0x3F8C] =	sst s3  }
0xc: {  	[smem:$0x3F8D] =	sst s4  }
0xd: {  	[smem:$0x3F8E] =	sst s5  }
0xe: {  	[smem:$0x3F8F] =	sst s6  }
0xf: {  	[smem:$0x3F90] =	sst s7  }
0x10: {  	[smem:$0x3F91] =	sst s8  }
0x11: {  	[smem:$0x3F92] =	sst s9;
	s0 =	simm.s32 @!p0 $0x0  }
0x12: {  	s1 =	sld [smem:$0x3F78];
	s0 =	simm.s32 @p0 $0x1  }
0x13: {  	[smem:$0x3F93] =	sst s0;
	s0 =	simm.s32 @!p1 $0x0  }
0x14: {  	s2 =	sld [smem:$0x3F77];
	s0 =	simm.s32 @p1 $0x1  }
0x15: {  	[smem:$0x3F94] =	sst s0;
	s0 =	simm.s32 @!p2 $0x0  }
0x16: {  	s3 =	sld [smem:$0x3FDB];
	s0 =	simm.s32 @p2 $0x1  }
0x17: {  	s4 =	simm.s32 $0x1BF5;
	[smem:$0x3F96] =	sst s0  }
0x18: {  	s0 =	sld [smem:$0x3F79];
	_ =	swait.ge [sflag:s4], $0x0  }
0x19: {  	s7 =	sld [smem:$0x3F7A]  }
0x1a: {  	s8 =	sadd.s32 $0xFFFFE003, lr  }
0x1b: {  	s9 =	sadd.s32 $0xFFFFFEF7, lr;
	s5 =	simm.s32 $0xFFFFFFFF;
	p2 =	slt.u32 s8, $0xFFFFF086  }
0x1c: {  	p1 =	slt.u32 s9, $0xF7A;
	s5 =	simm.s32 @!p2 $0x0  }
0x1d: {  	s5 =	simm.s32 @p1 $0x1;
	p0 =	seq.s32 s7, s2  }
0x1e: {  	s7 =	smul.u32 @!p0 $0xF7A, s2;
	p2 =	seq.s32 @!p0 s5, $0x0  }
0x1f: {  	s9 =	smul.u32 $0xF7A, s1;
	s8 =	simm.s32 @!p0 $0x1BF5;
	p2 =	por !p2, p0  }
0x20: {  	[sflag:s8] =	ssyncset.s32 @!p0 $0xFFFFF086;
	s6 =	sadd.s32 @!p0 s3, s7;
	s7 =	simm.s32 @!p0 $0x108  }
0x21: {  	s3 =	sadd.s32 s3, s9;
	s6 =	sadd.s32 @!p0 $0x88, s6;
	s7 =	simm.s32 @p2 $0x1082  }
0x22: {  	[simem:s7], [sflag:s8] =	dma.local @!p0 [hbm:s6], $0xF7A  }
0x23: {  	s9 =	sor.u32 $0xD0000000, s2;
	s6 =	simm.s32 $0x108;
	_ =	swait.ge @!p0 [sflag:s8], $0x0  }
0x24: {  	s3 =	sadd.s32 $0x88, s3;
	s6 =	simm.s32 @!p1 $0x1082;
	[sflag:s4] =	ssyncset.s32 $0xFFFFF086  }
0x25: {  	[simem:s6], [sflag:s4] =	dma.local [hbm:s3], $0xF7A  }
0x26: {  	[smem:$0x3F7A] =	sst s1;
	(tag) =	ssettag s2;
	_ =	strace s9  }
0x27: {  	s1 =	sld [smem:$0x3F8A]  }
0x28: {  	s2 =	sld [smem:$0x3F8B]  }
0x29: {  	s4 =	sld [smem:$0x3F8D]  }
0x2a: {  	p0 =	seq.s32 s5, $0x0;
	s5 =	sld [smem:$0x3F8E]  }
0x2b: {  	s6 =	sld [smem:$0x3F8F]  }
0x2c: {  	s7 =	sld [smem:$0x3F90]  }
0x2d: {  	s3 =	simm.s32 $0x108;
	s8 =	sld [smem:$0x3F91]  }
0x2e: {  	s3 =	simm.s32 @!p0 $0x1082;
	s9 =	sld [smem:$0x3F92]  }
0x2f: {  	lr =	sadd.s32 s0, s3;
	s0 =	sld [smem:$0x3F89]  }
0x30: {  	s3 =	sld [smem:$0x3F8C]  }
0x31: {  	[smem:$0x3F95] =	sst s10  }
0x32: {  	s10 =	sld [smem:$0x3F93];
	_ =	sdelay $0x3  }
0x33: {  	p0 =	seq.s32 s10, $0x1;
	s10 =	sld [smem:$0x3F95];
	_ =	sdelay $0x3  }
0x34: {  	[smem:$0x3F95] =	sst s10  }
0x35: {  	s10 =	sld [smem:$0x3F94];
	_ =	sdelay $0x3  }
0x36: {  	p1 =	seq.s32 s10, $0x1;
	s10 =	sld [smem:$0x3F95];
	_ =	sdelay $0x3  }
0x37: {  	[smem:$0x3F95] =	sst s10  }
0x38: {  	s10 =	sld [smem:$0x3F96]  }
0x39: {  	_ = 	snop;
	(pc) =	sbr.ind lr, $3  }
0x3a: {  	_ = 	snop  }
0x3b: {  	_ = 	snop  }
0x3c: {  	p2 =	seq.s32 s10, $0x1;
	s10 =	sld [smem:$0x3F95]  }
0x3d: {  	_ =	shalt  }
0x3e: {  	_ =	shalt  }
0x3f: {  	_ =	shalt  }
0x40: {  	_ =	shalt  }
0x41: {  	_ =	shalt  }
0x42: {  	_ =	shalt  }
0x43: {  	_ =	shalt  }
0x44: {  	_ =	shalt  }
0x45: {  	_ =	shalt  }
0x46: {  	_ =	shalt  }
0x47: {  	_ =	shalt  }
0x48: {  	_ =	shalt  }
0x49: {  	_ =	shalt  }
0x4a: {  	_ =	shalt  }
0x4b: {  	_ =	shalt  }
0x4c: {  	_ =	shalt  }
0x4d: {  	_ =	shalt  }
0x4e: {  	_ =	shalt  }
0x4f: {  	_ =	shalt  }
0x50: {  	_ =	shalt  }
0x51: {  	_ =	shalt  }
0x52: {  	_ =	shalt  }
0x53: {  	_ =	shalt  }
0x54: {  	_ =	shalt  }
0x55: {  	_ =	shalt  }
0x56: {  	_ =	shalt  }
0x57: {  	_ =	shalt  }
0x58: {  	_ =	shalt  }
0x59: {  	_ =	shalt  }
0x5a: {  	_ =	shalt  }
0x5b: {  	_ =	shalt  }
0x5c: {  	_ =	shalt  }
0x5d: {  	_ =	shalt  }
0x5e: {  	_ =	shalt  }
0x5f: {  	_ =	shalt  }
0x60: {  	_ =	shalt  }
0x61: {  	_ =	shalt  }
0x62: {  	_ =	shalt  }
0x63: {  	_ =	shalt  }
0x64: {  	_ =	shalt  }
0x65: {  	_ =	shalt  }
0x66: {  	_ =	shalt  }
0x67: {  	_ =	shalt  }
0x68: {  	_ =	shalt  }
0x69: {  	_ =	shalt  }
0x6a: {  	_ =	shalt  }
0x6b: {  	_ =	shalt  }
0x6c: {  	_ =	shalt  }
0x6d: {  	_ =	shalt  }
0x6e: {  	_ =	shalt  }
0x6f: {  	_ =	shalt  }
0x70: {  	_ =	shalt  }
0x71: {  	_ =	shalt  }
0x72: {  	_ =	shalt  }
0x73: {  	_ =	shalt  }
0x74: {  	_ =	shalt  }
0x75: {  	_ =	shalt  }
0x76: {  	_ =	shalt  }
0x77: {  	_ =	shalt  }
0x78: {  	_ =	shalt  }
0x79: {  	_ =	shalt  }
0x7a: {  	_ =	shalt  }
0x7b: {  	_ =	shalt  }
0x7c: {  	_ =	shalt  }
0x7d: {  	_ =	shalt  }
0x7e: {  	_ =	shalt  }
0x7f: {  	_ =	shalt  }
0x80: {  	_ =	shalt  }
0x81: {  	_ =	shalt  }
0x82: {  	_ =	shalt  }
0x83: {  	_ =	shalt  }
0x84: {  	_ =	shalt  }
0x85: {  	_ =	shalt  }
0x86: {  	_ =	shalt  }
0x87: {  	_ =	shalt  }
.Lfunc_end0:
.L_simem_size_0:
called_computation.2_lowered:
.L_overlay_start_0:
0x88: {  	s2 =	sld [smem:$0x3FD9]  }
0x89: {  	s3 =	sld [smem:$0x3FFE];
	_ =	sdelay $0x1  }
0x8a: {  	s1 =	srdreg.scid  }
0x8b: {  	s0 =	sand.u32 $0x1, s1  }
0x8c: {  	s16 =	sshll.u32 s0, $0xA;
	s2 =	sadd.s32 s3, s2  }
0x8d: {  	s2 =	sadd.s32 s2, s16  }
0x8e: {  	[smem:$0x3FA1] =	sst s2  }
0x8f: {  	_ = 	snop  }
0x90: {  	(tm) =	ssettm $0x1  }
0x91: {  	s17 =	sld [smem:$0x3FFB];
	_ =	sdelay $0x3  }
0x92: {  	_ =	strace s17  }
0x93: {  	s2 =	sld [smem:$0x3FFC];
	_ =	sdelay $0x3  }
0x94: {  	_ =	strace s2  }
0x95: {  	s2 =	sld [smem:$0x3FFD];
	_ =	sdelay $0x3  }
0x96: {  	_ =	strace s2  }
0x97: {  	_ =	strace $0x8FFFFFFF  }
0x98: {  	s18 =	sld [smem:$0x3FDB];
	_ =	sdelay $0x1  }
0x99: {  	s19 =	simm.s32 $_scs_section_size  }
0x9a: {  	s4 =	simm.s32 $_size__tile_overlayer_lowered;
	s5 =	simm.s32 $_tile_overlayer_lowered  }
0x9b: {  	s22 =	simm.s32 $0x1BFF;
	s21 =	sshll.u32 s5, $0x1;
	s2 =	sadd.s32 s19, s18  }
0x9c: {  	s6 =	simm.s32 $0x0;
	s20 =	sshll.u32 s4, $0x1;
	s4 =	sadd.s32 s21, s2  }
0x9d: {  	[timem:s6], [sflag:s22] =	dma.local [hbm:s4], s20  }
0x9e: {  	_ =	swait.ge [sflag:s22], s20  }
0x9f: {  	s3 =	ssub.s32 $0x0, s20;
	[sflag:s22] =	ssyncset.done $0x0  }
0xa0: {  	[sflag:s22] =	ssyncadd.s32 s3;
	_ =	sdelay $0x1  }
0xa1: {  	s23 =	simm.s32 $0x1B8B  }
0xa2: {  	_ =	swait.ge [sflag:s23], $0x1  }
0xa3: {  	[sflag:s23] =	ssyncset.done $0x0  }
0xa4: {  	s25 =	simm.s32 $0x1B8E;
	s24 =	sld [smem:$0x3FFE];
	[sflag:s23] =	ssyncadd.s32 $0xFFFFFFFF  }
0xa5: {  	s26 =	simm.s32 $execute0_lowered;
	[smem:$0x3FD2] =	sst s25  }
0xa6: {  	s4 =	sshll.u32 s26, $0x1;
	_ =	strace $0x8000004C;
	[dreg:$0x1] =	wrdreg $0xFFFFFFFF  }
0xa7: {  	s28 =	simm.s32 $_size_execute0_lowered;
	s2 =	sadd.s32 s2, s4;
	[dreg:$0x0] =	wrdreg $0x0  }
0xa8: {  	s4 =	sshll.u32 s28, $0x1;
	[dreg:$0x2] =	wrdreg s2  }
0xa9: {  	[dreg:$0x3] =	wrdreg s4  }
0xaa: {  	[dreg:$0x4] =	wrdreg $0xC0  }
0xab: {  	_ =	task [dreg:s6], $0x5FFFF  }
0xac: {  	[dreg:$0x1] =	wrdreg $0xFFFFFFFF  }
0xad: {  	[dreg:$0x0] =	wrdreg $0x60  }
0xae: {  	[dreg:$0x2] =	wrdreg s24  }
0xaf: {  	[dreg:$0x3] =	wrdreg $0x9  }
0xb0: {  	_ =	task.clear_ibuf [dreg:s6], $0x4FFFF;
	_ =	strace $0x9000004C  }
0xb1: {  	s29 =	simm.s32 $0x9;
	_ =	strace $0x8000004E  }
0xb2: {  	_ =	swait.ge [sflag:s29], $0x1  }
0xb3: {  	[sflag:s29] =	ssyncadd.s32 $0xFFFFFFFF  }
0xb4: {  	_ =	strace $0x9000004E  }
0xb5: {  	_ =	sfence  }
0xb6: {  	s30 =	sld [smem:$0x0];
	_ =	sdelay $0x2  }
0xb7: {  	s31 =	sshll.u32 s1, $0xD;
	s1 =	sshrl.u32 s1, $0x2  }
0xb8: {  	s3 =	sand.u32 $0x4000, s31;
	s1 =	sadd.s32 s1, s30  }
0xb9: {  	s0 =	sor.u32 s3, s0;
	s1 =	sshll.u32 s1, $0x11  }
0xba: {  	s0 =	sor.u32 s1, s0  }
0xbb: {  	s0 =	sadd.s32 $0x8F2B, s0  }
0xbc: {  	[sflag:s0] =	ssyncadd.remote.s32 $0x1  }
0xbd: {  	_ =	sfence.sel $0xFFFF  }
0xbe: {  	[dreg:$0x0] =	wrdreg $0xFFFFFFFF;
	(pc) =	sbr.abs _section_cstart, $3  }
0xbf: {  	[dreg:$0x1] =	wrdreg $0xFFFFFFFF  }
0xc0: {  	_ =	task.clear_ibuf [dreg:s6], $0x2FFFF;
	_ =	strace $0x9FFFFFFF  }
0xc1: {  	(tm) =	ssettm $0x7FFFFFFF  }
tec
execute0_lowered:
.L_overlay_start_1:
0x0: {  	(tag) =	ssettag $0x1  }
0x1: {  	s0 =	srdreg.scid  }
0x2: {  	s1 =	sshll.u32 s0, $0x4  }
0x3: {  	s0 =	stileid.u32;
	s1 =	sand.u32 $0x10, s1  }
0x4: {  	s1 =	sor.u32 s0, s1  }
0x5: {  	s2 =	smul.u32 $0x7, s1  }
0x6: {  	s9 =	rddreg [dreg:$0x0];
	s6 =	simm.s32 $0x1;
	s3 =	smin.u32 s1, $0x1E  }
0x7: {  	p0 =	slt.u32 s1, $0x1E;
	s1 =	simm.s32 $0x100;
	s2 =	sadd.s32 s3, s2  }
0x8: {  	s7 =	simm.s32 $0x2;
	s1 =	simm.s32 @!p0 $0xE0;
	s2 =	sshll.u32 s2, $0x5  }
0x9: {  	s10 =	simm.s32 $0x3;
	s13 =	simm.s32 $0x0;
	s31 =	sadd.s32 s1, s2  }
0xa: {  	s12 =	simm.s32 $0x0;
	s4 =	sadd.s32 $0x25E00, s9;
	s3 =	smin.u32 s31, $0x1FC0  }
.Ltmp0:
0xb: {  	s5 =	sadd.s32 $0x25A00, s9;
	s8 =	ssub.s32 s3, s2;
	(pc) =	sbr.rel .LBB2_1-.Ltmp0, $4  }
0xc: {  	s1 =	rddreg [dreg:$0x1];
	_ =	strace $0x8000004D;
	p0 =	sgt.s32 s8, $0x0  }
0xd: {  	s9 =	sadd.s32 $0x5E00, s9;
	[sflag:s6] =	ssyncpa.u1 $0x0;
	s8 =	simm.s32 @!p0 $0x0  }
0xe: {  	s11 =	smov.u32 s2;
	[sflag:s7] =	ssyncpa.u1 $0x0;
	s8 =	sshrl.u32 s8, $0x5  }
0xf: {  	vm0 =	vmmov $0xff;
	vm1 =	vcmask $0x3F20;
	[sflag:s10] =	ssyncpa.u1 $0x0;
	p0 =	por $0x0, $0x0;
	s10 =	sadd.s32 $0x1, s8  }
.LBB2_6:
0x10: {  	[hbm:s17] =	stream.linear.scatter [tilespmem:s14], [sflag:$0x3], $0x400, $0x38;
	[tilespmem:$0x2040] =	vst v63  }
.LBB2_7:
0x11: {  	s13 =	sadd.s32 $0x20, s11  }
0x12: {  	s15 =	smov.u32 s2;
	p2 =	slt.s32 s13, s3  }
0x13: {  	s15 =	smov.u32 @p2 s13;
	p2 =	sne.s32 s12, s10  }
.Ltmp1:
0x14: {  	p1 =	slt.u32 s12, $0x2;
	(pc) =	sbr.rel @!p2 .LBB2_8-.Ltmp1, $4  }
0x15: {  	s14 =	simm.s32 @!p1 $0x3  }
0x16: {  	s16 =	sadd.s32 $0x1, s12;
	_ =	swait.ge @!p1 [sflag:s14], $0x1000  }
0x17: {  	p0 =	por !p0, !p0;
	s13 =	smov.u32 s11;
	[sflag:s14] =	ssyncset.done @!p1 $0x0  }
0x18: {  	s12 =	smov.u32 s16;
	s11 =	smov.u32 s15;
	[sflag:s14] =	ssyncadd.s32 @!p1 $0xFFFFF000  }
.LBB2_1:
0x19: {  	p1 =	sge.u32 s12, s8  }
0x1a: {  	s14 =	sxor.u32 @!p1 $0xFFFFFFFF, s12  }
0x1b: {  	s31 =	sadd.s32 $0xFFFFFFFF, s12;
	s15 =	sshrl.u32 @!p1 s11, $0x3;
	s14 =	sshll.u32 @!p1 s14, $0x5  }
0x1c: {  	s16 =	sand.u32 @!p1 $0x7, s11;
	s15 =	sadd.s32 @!p1 s5, s15;
	s14 =	sand.u32 @!p1 $0x20, s14  }
0x1d: {  	[tilespmem:s14], [sflag:$0x2] =	stream.linear.gather @!p1 [hbm4b:s15+s16], $0x20, $0x38;
	[tilespmem:$0x2040] =	vst v63  }
0x1e: {  	p1 =	sge.u32 s31, s8  }
.Ltmp2:
0x1f: {  	_ = 	snop;
	(pc) =	sbr.rel @p1 .LBB2_7-.Ltmp2, $1  }
0x20: {  	_ =	sdelay $0x3  }
0x21: {  	s14 =	simm.s32 $0x1  }
0x22: {  	_ =	swait.ge [sflag:s7], $0x20;
	s16 =	sand.u32 $0x1, s12;
	s17 =	simm.s32 $0x0  }
0x23: {  	p1 =	por $0x1, $0x1;
	s14 =	simm.s32 @!p0 $0x0;
	[sflag:s7] =	ssyncset.done $0x0  }
0x24: {  	s15 =	sshll.u32 s16, $0x5;
	s16 =	sshll.u32 s16, $0xC;
	s14 =	sshll.u32 s14, $0xC  }
0x25: {  	[sflag:s7] =	ssyncadd.s32 $0xFFFFFFE0;
	s16 =	sor.u32 $0x40, s16;
	s14 =	sor.u32 $0x40, s14  }
.LBB2_3:
0x26: {  	s18 =	sshll.u32 s17, $0x4  }
0x27: {  	s18 =	sand.u32 $0x3FFFFFF0, s18  }
0x28: {  	s18 =	sadd.s32 s18, s15  }
0x29: {  	v0 =	vld.msk [tilespmem:s18+$0x0 ss:$0x1], $0xffff;
	_ =	sdelay $0x4  }
0x2a: {  	vm2 =	vgt.s32 v0, $0x0  }
0x2b: {  	v0 =	vnsel vm2, $0x0, v0  }
0x2c: {  	v0 =	vmin.u32 v0, $0x1FFF  }
0x2d: {  	v0 =	vshll.u32 v0, $0x4;
	_ =	sdelay $0x1  }
0x2e: {  	s31 =	sshll.u32 s17, $0xB  }
0x2f: {  	p2 =	por p1, p1;
	s17 =	sand.u32 $0x3FFFF800, s31  }
.Ltmp3:
0x30: {  	s17 =	sadd.s32 s17, s16;
	(pc) =	sbr.rel @p2 .LBB2_3-.Ltmp3, $4  }
0x31: {  	[tilespmem:s17], [sflag:$0x1] =	stream.indirect_vreg.gather [hbm:s4], $0x80, v0, vm0, $0x38;
	[tilespmem:$0x2040] =	vst v63  }
0x32: {  	s17 =	sadd.s32 $0x400, s17  }
0x33: {  	[tilespmem:s17], [sflag:$0x1] =	stream.indirect_vreg.gather [hbm:s4], $0x80, v0, vm1, $0x38;
	[tilespmem:$0x2040] =	vst v63  }
0x34: {  	p1 =	por $0x0, $0x0;
	s17 =	simm.s32 $0x1  }
0x35: {  	_ =	swait.ge [sflag:s6], $0x1000;
	s13 =	sshll.u32 s13, $0x4  }
0x36: {  	s15 =	simm.s32 $0x80;
	[sflag:s6] =	ssyncset.done $0x0;
	s13 =	sadd.s32 s13, s9  }
0x37: {  	s16 =	sadd.s32 $0x400, s14;
	[sflag:s6] =	ssyncadd.s32 $0xFFFFF000;
	s17 =	sadd.s32 $0x0, s13  }
.LBB2_5:
0x38: {  	[hbm:s17] =	stream.linear.scatter [tilespmem:s14], [sflag:$0x3], $0x400, $0x38;
	[tilespmem:$0x2040] =	vst v63  }
0x39: {  	s17 =	smov.u32 s15;
	s14 =	smov.u32 s16;
	p1 =	sne.s32 s15, $0x180  }
.Ltmp4:
0x3a: {  	s15 =	sadd.s32 $0x80, s15;
	(pc) =	sbr.rel @p1 .LBB2_5-.Ltmp4, $2  }
0x3b: {  	_ =	sdelay $0x2  }
0x3c: {  	s16 =	sadd.s32 $0x400, s16;
	s17 =	sadd.s32 s17, s13  }
.Ltmp5:
0x3d: {  	_ = 	snop;
	(pc) =	sbr.rel .LBB2_6-.Ltmp5, $1  }
0x3e: {  	_ =	sdelay $0x3  }
.LBB2_8:
0x3f: {  	_ =	sfence.sel $0x180000  }
0x40: {  	s2 =	simm.s32 $0x2;
	[bflag:$0x0] =	sbarrier.arrive $0xFFFF  }
0x41: {  	s30 =	simm.s32 $0x3;
	[sflag:s2] =	ssyncpa.u1 $0x1  }
0x42: {  	s31 =	simm.s32 $0x1;
	[sflag:s30] =	ssyncpa.u1 $0x1  }
0x43: {  	[sflag:s31] =	ssyncpa.u1 $0x1  }
0x44: {  	p0 =	sne.s32 s0, $0x0;
	_ =	strace $0x9000004D  }
0x45: {  	s0 =	sadd.s32 @!p0 $0x100000, s1;
	[bflag:$0x2] =	sbarrier.arrive $0xFFFF  }
0x46: {  	[sflag:s0] =	ssyncadd.tile.s32 @!p0 $0x1;
	_ =	shalt  }
.Lfunc_end2:
_tile_overlayer_lowered:
.L_overlay_start_2:
0x47: {  	(tag) =	ssettag $0x2  }
0x48: {  	s0 =	rddreg [dreg:$0x0];
	s2 =	stileid.u32  }
0x49: {  	s1 =	rddreg [dreg:$0x1];
	p0 =	sne.s32 s2, $0x0  }
0x4a: {  	s3 =	rddreg [dreg:$0x2];
	[bflag:$0x3] =	sbarrier.arrive $0xFFFF;
	s2 =	simm.s32 @!p0 $0x1C01  }
0x4b: {  	[timem:s3], [sflag:s2] =	dma.local @!p0 [hbm:s0], s1  }
0x4c: {  	s0 =	simm.s32 @!p0 $0x1  }
0x4d: {  	_ =	swait.ge @!p0 [sflag:s0], s1  }
0x4e: {  	s1 =	ssub.s32 @!p0 $0x0, s1;
	[sflag:s0] =	ssyncset.done @!p0 $0x0  }
0x4f: {  	[sflag:s0] =	ssyncadd.s32 @!p0 s1  }
0x50: {  	[bflag:$0x3] =	sbarrier.arrive $0xFFFF  }
0x51: {  	_ =	shalt  }

// kernel: gather_offload_async_start
scs
__scs_entry_jumppad:
0x0: {  	(pc) =	sbr.rel $0x88, $3  }
0x1: {  	(tag) =	ssettag $0x0;
	lr =	simm.s32 $0x1  }
0x2: {  	[smem:$0x3F7A] =	sst lr;
	_ =	strace $0xD0000000  }
0x3: {  	_ = 	snop  }
0x4: {  	_ = 	snop  }
0x5: {  	_ = 	snop  }
0x6: {  	_ = 	snop  }
0x7: {  	_ = 	snop  }
__scs_overlays_trampoline_lowered:
0x8: {  	[smem:$0x3F89] =	sst s0  }
0x9: {  	[smem:$0x3F8A] =	sst s1  }
0xa: {  	[smem:$0x3F8B] =	sst s2  }
0xb: {  	[smem:$0x3F8C] =	sst s3  }
0xc: {  	[smem:$0x3F8D] =	sst s4  }
0xd: {  	[smem:$0x3F8E] =	sst s5  }
0xe: {  	[smem:$0x3F8F] =	sst s6  }
0xf: {  	[smem:$0x3F90] =	sst s7  }
0x10: {  	[smem:$0x3F91] =	sst s8  }
0x11: {  	[smem:$0x3F92] =	sst s9;
	s0 =	simm.s32 @!p0 $0x0  }
0x12: {  	s1 =	sld [smem:$0x3F78];
	s0 =	simm.s32 @p0 $0x1  }
0x13: {  	[smem:$0x3F93] =	sst s0;
	s0 =	simm.s32 @!p1 $0x0  }
0x14: {  	s2 =	sld [smem:$0x3F77];
	s0 =	simm.s32 @p1 $0x1  }
0x15: {  	[smem:$0x3F94] =	sst s0;
	s0 =	simm.s32 @!p2 $0x0  }
0x16: {  	s3 =	sld [smem:$0x3FDB];
	s0 =	simm.s32 @p2 $0x1  }
0x17: {  	s4 =	simm.s32 $0x1BF5;
	[smem:$0x3F96] =	sst s0  }
0x18: {  	s0 =	sld [smem:$0x3F79];
	_ =	swait.ge [sflag:s4], $0x0  }
0x19: {  	s7 =	sld [smem:$0x3F7A]  }
0x1a: {  	s8 =	sadd.s32 $0xFFFFE003, lr  }
0x1b: {  	s9 =	sadd.s32 $0xFFFFFEF7, lr;
	s5 =	simm.s32 $0xFFFFFFFF;
	p2 =	slt.u32 s8, $0xFFFFF086  }
0x1c: {  	p1 =	slt.u32 s9, $0xF7A;
	s5 =	simm.s32 @!p2 $0x0  }
0x1d: {  	s5 =	simm.s32 @p1 $0x1;
	p0 =	seq.s32 s7, s2  }
0x1e: {  	s7 =	smul.u32 @!p0 $0xF7A, s2;
	p2 =	seq.s32 @!p0 s5, $0x0  }
0x1f: {  	s9 =	smul.u32 $0xF7A, s1;
	s8 =	simm.s32 @!p0 $0x1BF5;
	p2 =	por !p2, p0  }
0x20: {  	[sflag:s8] =	ssyncset.s32 @!p0 $0xFFFFF086;
	s6 =	sadd.s32 @!p0 s3, s7;
	s7 =	simm.s32 @!p0 $0x108  }
0x21: {  	s3 =	sadd.s32 s3, s9;
	s6 =	sadd.s32 @!p0 $0x88, s6;
	s7 =	simm.s32 @p2 $0x1082  }
0x22: {  	[simem:s7], [sflag:s8] =	dma.local @!p0 [hbm:s6], $0xF7A  }
0x23: {  	s9 =	sor.u32 $0xD0000000, s2;
	s6 =	simm.s32 $0x108;
	_ =	swait.ge @!p0 [sflag:s8], $0x0  }
0x24: {  	s3 =	sadd.s32 $0x88, s3;
	s6 =	simm.s32 @!p1 $0x1082;
	[sflag:s4] =	ssyncset.s32 $0xFFFFF086  }
0x25: {  	[simem:s6], [sflag:s4] =	dma.local [hbm:s3], $0xF7A  }
0x26: {  	[smem:$0x3F7A] =	sst s1;
	(tag) =	ssettag s2;
	_ =	strace s9  }
0x27: {  	s1 =	sld [smem:$0x3F8A]  }
0x28: {  	s2 =	sld [smem:$0x3F8B]  }
0x29: {  	s4 =	sld [smem:$0x3F8D]  }
0x2a: {  	p0 =	seq.s32 s5, $0x0;
	s5 =	sld [smem:$0x3F8E]  }
0x2b: {  	s6 =	sld [smem:$0x3F8F]  }
0x2c: {  	s7 =	sld [smem:$0x3F90]  }
0x2d: {  	s3 =	simm.s32 $0x108;
	s8 =	sld [smem:$0x3F91]  }
0x2e: {  	s3 =	simm.s32 @!p0 $0x1082;
	s9 =	sld [smem:$0x3F92]  }
0x2f: {  	lr =	sadd.s32 s0, s3;
	s0 =	sld [smem:$0x3F89]  }
0x30: {  	s3 =	sld [smem:$0x3F8C]  }
0x31: {  	[smem:$0x3F95] =	sst s10  }
0x32: {  	s10 =	sld [smem:$0x3F93];
	_ =	sdelay $0x3  }
0x33: {  	p0 =	seq.s32 s10, $0x1;
	s10 =	sld [smem:$0x3F95];
	_ =	sdelay $0x3  }
0x34: {  	[smem:$0x3F95] =	sst s10  }
0x35: {  	s10 =	sld [smem:$0x3F94];
	_ =	sdelay $0x3  }
0x36: {  	p1 =	seq.s32 s10, $0x1;
	s10 =	sld [smem:$0x3F95];
	_ =	sdelay $0x3  }
0x37: {  	[smem:$0x3F95] =	sst s10  }
0x38: {  	s10 =	sld [smem:$0x3F96]  }
0x39: {  	_ = 	snop;
	(pc) =	sbr.ind lr, $3  }
0x3a: {  	_ = 	snop  }
0x3b: {  	_ = 	snop  }
0x3c: {  	p2 =	seq.s32 s10, $0x1;
	s10 =	sld [smem:$0x3F95]  }
0x3d: {  	_ =	shalt  }
0x3e: {  	_ =	shalt  }
0x3f: {  	_ =	shalt  }
0x40: {  	_ =	shalt  }
0x41: {  	_ =	shalt  }
0x42: {  	_ =	shalt  }
0x43: {  	_ =	shalt  }
0x44: {  	_ =	shalt  }
0x45: {  	_ =	shalt  }
0x46: {  	_ =	shalt  }
0x47: {  	_ =	shalt  }
0x48: {  	_ =	shalt  }
0x49: {  	_ =	shalt  }
0x4a: {  	_ =	shalt  }
0x4b: {  	_ =	shalt  }
0x4c: {  	_ =	shalt  }
0x4d: {  	_ =	shalt  }
0x4e: {  	_ =	shalt  }
0x4f: {  	_ =	shalt  }
0x50: {  	_ =	shalt  }
0x51: {  	_ =	shalt  }
0x52: {  	_ =	shalt  }
0x53: {  	_ =	shalt  }
0x54: {  	_ =	shalt  }
0x55: {  	_ =	shalt  }
0x56: {  	_ =	shalt  }
0x57: {  	_ =	shalt  }
0x58: {  	_ =	shalt  }
0x59: {  	_ =	shalt  }
0x5a: {  	_ =	shalt  }
0x5b: {  	_ =	shalt  }
0x5c: {  	_ =	shalt  }
0x5d: {  	_ =	shalt  }
0x5e: {  	_ =	shalt  }
0x5f: {  	_ =	shalt  }
0x60: {  	_ =	shalt  }
0x61: {  	_ =	shalt  }
0x62: {  	_ =	shalt  }
0x63: {  	_ =	shalt  }
0x64: {  	_ =	shalt  }
0x65: {  	_ =	shalt  }
0x66: {  	_ =	shalt  }
0x67: {  	_ =	shalt  }
0x68: {  	_ =	shalt  }
0x69: {  	_ =	shalt  }
0x6a: {  	_ =	shalt  }
0x6b: {  	_ =	shalt  }
0x6c: {  	_ =	shalt  }
0x6d: {  	_ =	shalt  }
0x6e: {  	_ =	shalt  }
0x6f: {  	_ =	shalt  }
0x70: {  	_ =	shalt  }
0x71: {  	_ =	shalt  }
0x72: {  	_ =	shalt  }
0x73: {  	_ =	shalt  }
0x74: {  	_ =	shalt  }
0x75: {  	_ =	shalt  }
0x76: {  	_ =	shalt  }
0x77: {  	_ =	shalt  }
0x78: {  	_ =	shalt  }
0x79: {  	_ =	shalt  }
0x7a: {  	_ =	shalt  }
0x7b: {  	_ =	shalt  }
0x7c: {  	_ =	shalt  }
0x7d: {  	_ =	shalt  }
0x7e: {  	_ =	shalt  }
0x7f: {  	_ =	shalt  }
0x80: {  	_ =	shalt  }
0x81: {  	_ =	shalt  }
0x82: {  	_ =	shalt  }
0x83: {  	_ =	shalt  }
0x84: {  	_ =	shalt  }
0x85: {  	_ =	shalt  }
0x86: {  	_ =	shalt  }
0x87: {  	_ =	shalt  }
.Lfunc_end0:
.L_simem_size_0:
called_computation_lowered:
.L_overlay_start_0:
0x88: {  	s2 =	sld [smem:$0x3FD9]  }
0x89: {  	s3 =	sld [smem:$0x3FFE];
	_ =	sdelay $0x1  }
0x8a: {  	s1 =	srdreg.scid  }
0x8b: {  	s0 =	sand.u32 $0x1, s1  }
0x8c: {  	s17 =	sshll.u32 s0, $0xA;
	s2 =	sadd.s32 s3, s2  }
0x8d: {  	s2 =	sadd.s32 s2, s17  }
0x8e: {  	[smem:$0x3FA1] =	sst s2  }
0x8f: {  	_ = 	snop  }
0x90: {  	s18 =	sld [smem:$0x3FD0];
	(tm) =	ssettm $0x1  }
0x91: {  	s19 =	sld [smem:$0x3FFB];
	_ =	sdelay $0x3  }
0x92: {  	_ =	strace s19  }
0x93: {  	s2 =	sld [smem:$0x3FFC];
	_ =	sdelay $0x3  }
0x94: {  	_ =	strace s2  }
0x95: {  	s2 =	sld [smem:$0x3FFD];
	_ =	sdelay $0x3  }
0x96: {  	_ =	strace s2  }
0x97: {  	_ =	strace $0x8FFFFFFF  }
0x98: {  	s20 =	sld [smem:$0x3FDB];
	_ =	sdelay $0x1  }
0x99: {  	s4 =	simm.s32 $_scs_section_size  }
0x9a: {  	s5 =	simm.s32 $_size__tile_overlayer_lowered;
	s6 =	simm.s32 $_tile_overlayer_lowered  }
0x9b: {  	s7 =	simm.s32 $0x1BFF;
	s21 =	sshll.u32 s6, $0x1;
	s4 =	sadd.s32 s4, s20  }
0x9c: {  	s22 =	simm.s32 $0x0;
	s5 =	sshll.u32 s5, $0x1;
	s6 =	sadd.s32 s21, s4  }
0x9d: {  	[timem:s22], [sflag:s7] =	dma.local [hbm:s6], s5  }
0x9e: {  	_ =	swait.ge [sflag:s7], s5  }
0x9f: {  	s5 =	ssub.s32 $0x0, s5;
	[sflag:s7] =	ssyncset.done $0x0  }
0xa0: {  	[sflag:s7] =	ssyncadd.s32 s5;
	_ =	sdelay $0x1  }
0xa1: {  	s23 =	simm.s32 $0x1B8B  }
0xa2: {  	_ =	swait.ge [sflag:s23], $0x1  }
0xa3: {  	[sflag:s23] =	ssyncset.done $0x0  }
0xa4: {  	[sflag:s23] =	ssyncadd.s32 $0xFFFFFFFF  }
0xa5: {  	s5 =	sld [smem:$0x0]  }
0xa6: {  	s6 =	sand.u32 $0xFFFFFFFE, s1  }
0xa7: {  	p0 =	sne.s32 s1, s6  }
0xa8: {  	s6 =	sshll.u32 @p0 s6, $0xE  }
0xa9: {  	s6 =	sadd.s32 @p0 $0x11B8D, s6;
	s7 =	sshll.u32 @p0 s5, $0x11  }
0xaa: {  	s6 =	sor.u32 @p0 s7, s6  }
0xab: {  	[sflag:s6] =	ssyncadd.remote.s32 @p0 $0x1;
	_ =	sdelay $0x1  }
0xac: {  	s6 =	simm.s32 @p0 $0x1B8D  }
0xad: {  	_ =	swait.eq @p0 [sflag:s6], $0x1  }
0xae: {  	[sflag:s6] =	ssyncadd.s32 @p0 $0xFFFFFFFF  }
0xaf: {  	s7 =	sshll.u32 @!p0 s1, $0xE  }
0xb0: {  	s7 =	sor.u32 @!p0 $0x4000, s7;
	s6 =	simm.s32 @!p0 $0x1B8D  }
0xb1: {  	s5 =	sshll.u32 @!p0 s5, $0x11;
	s7 =	sadd.s32 @!p0 $0x11B8D, s7;
	_ =	swait.eq @!p0 [sflag:s6], $0x1  }
0xb2: {  	s5 =	sor.u32 @!p0 s5, s7;
	[sflag:s6] =	ssyncadd.s32 @!p0 $0xFFFFFFFF  }
0xb3: {  	s25 =	simm.s32 $0x1B8E;
	s24 =	sld [smem:$0x3FFE];
	[sflag:s5] =	ssyncadd.remote.s32 @!p0 $0x1  }
0xb4: {  	s26 =	simm.s32 $execute0_lowered;
	[smem:$0x3FD2] =	sst s25  }
0xb5: {  	s6 =	sshll.u32 s26, $0x1;
	_ =	strace $0x80000049;
	[dreg:$0x1] =	wrdreg $0xFFFFFFFF  }
0xb6: {  	s28 =	simm.s32 $_size_execute0_lowered;
	s4 =	sadd.s32 s4, s6;
	[dreg:$0x0] =	wrdreg $0x0  }
0xb7: {  	s6 =	sshll.u32 s28, $0x1;
	[dreg:$0x2] =	wrdreg s4  }
0xb8: {  	[dreg:$0x3] =	wrdreg s6  }
0xb9: {  	[dreg:$0x4] =	wrdreg $0xC0  }
0xba: {  	_ =	task [dreg:s22], $0x5FFFF  }
0xbb: {  	[dreg:$0x1] =	wrdreg $0xFFFFFFFF  }
0xbc: {  	[dreg:$0x0] =	wrdreg $0x60  }
0xbd: {  	[dreg:$0x2] =	wrdreg s24  }
0xbe: {  	[dreg:$0x3] =	wrdreg s18  }
0xbf: {  	[dreg:$0x4] =	wrdreg $0x9  }
0xc0: {  	_ =	task.clear_ibuf [dreg:s22], $0x5FFFF;
	_ =	strace $0x90000049  }
0xc1: {  	s29 =	simm.s32 $0x9;
	_ =	strace $0x8000004B  }
0xc2: {  	_ =	swait.ge [sflag:s29], $0x1  }
0xc3: {  	[sflag:s29] =	ssyncadd.s32 $0xFFFFFFFF  }
0xc4: {  	_ =	strace $0x9000004B  }
0xc5: {  	_ =	sfence  }
0xc6: {  	s30 =	sld [smem:$0x0];
	_ =	sdelay $0x2  }
0xc7: {  	s31 =	sshll.u32 s1, $0xD;
	s1 =	sshrl.u32 s1, $0x2  }
0xc8: {  	s4 =	sand.u32 $0x4000, s31;
	s1 =	sadd.s32 s1, s30  }
0xc9: {  	s0 =	sor.u32 s4, s0;
	s1 =	sshll.u32 s1, $0x11  }
0xca: {  	s0 =	sor.u32 s1, s0  }
0xcb: {  	s0 =	sadd.s32 $0x8F2B, s0  }
0xcc: {  	[sflag:s0] =	ssyncadd.remote.s32 $0x1  }
0xcd: {  	_ =	sfence.sel $0xFFFF  }
0xce: {  	[dreg:$0x0] =	wrdreg $0xFFFFFFFF;
	(pc) =	sbr.abs _section_cstart, $3  }
0xcf: {  	[dreg:$0x1] =	wrdreg $0xFFFFFFFF  }
0xd0: {  	_ =	task.clear_ibuf [dreg:s22], $0x2FFFF;
	_ =	strace $0x9FFFFFFF  }
0xd1: {  	(tm) =	ssettm $0x7FFFFFFF  }
tec
execute0_lowered:
.L_overlay_start_1:
0x0: {  	(tag) =	ssettag $0x1  }
0x1: {  	s7 =	rddreg [dreg:$0x0]  }
0x2: {  	s2 =	rddreg [dreg:$0x1]  }
0x3: {  	s0 =	rddreg [dreg:$0x2]  }
0x4: {  	s1 =	srdreg.scid;
	_ =	strace $0x8000004A;
	s4 =	simm.s32 $0x1  }
0x5: {  	s9 =	simm.s32 $0x3;
	s12 =	simm.s32 $0x0;
	s5 =	sshll.u32 s1, $0x4  }
.Ltmp0:
0x6: {  	s1 =	stileid.u32;
	s5 =	sand.u32 $0x10, s5;
	(pc) =	sbr.rel .LBB2_1-.Ltmp0, $4  }
0x7: {  	s10 =	simm.s32 $0x0;
	s3 =	sadd.s32 $0x5E00, s7;
	s6 =	sor.u32 s1, s5  }
0x8: {  	[sflag:s4] =	ssyncpa.u1 $0x0;
	s5 =	simm.s32 $0x2;
	s6 =	sshll.u32 s6, $0x8  }
0x9: {  	s7 =	sadd.s32 $0x26200, s7;
	[sflag:s5] =	ssyncpa.u1 $0x0;
	s8 =	sadd.s32 $0x100, s6  }
0xa: {  	vm0 =	vmmov $0xff;
	vm1 =	vcmask $0x3F20;
	[sflag:s9] =	ssyncpa.u1 $0x0;
	s9 =	simm.s32 $0x100;
	s11 =	smov.u32 s6  }
.LBB2_9:
0xb: {  	p0 =	seq.s32 s10, $0x2  }
.Ltmp1:
0xc: {  	_ = 	snop;
	(pc) =	sbr.rel @p0 .LBB2_11-.Ltmp1, $1  }
0xd: {  	_ =	sdelay $0x3  }
.LBB2_10:
0xe: {  	s12 =	sadd.s32 $0x100, s11  }
0xf: {  	s13 =	smov.u32 s6;
	p0 =	slt.s32 s12, s8  }
0x10: {  	s13 =	smov.u32 @p0 s12  }
0x11: {  	s10 =	sadd.s32 $0x1, s10;
	s12 =	smov.u32 s11;
	s11 =	smov.u32 s13  }
.LBB2_1:
0x12: {  	p0 =	sne.s32 s10, $0x0  }
.Ltmp2:
0x13: {  	_ = 	snop;
	(pc) =	sbr.rel @!p0 .LBB2_2-.Ltmp2, $1  }
0x14: {  	_ =	sdelay $0x3  }
0x15: {  	s13 =	sand.u32 $0x1, s10  }
0x16: {  	p0 =	seq.s32 s13, $0x0  }
.Ltmp3:
0x17: {  	_ = 	snop;
	(pc) =	sbr.rel @p0 .LBB2_9-.Ltmp3, $1  }
0x18: {  	_ =	sdelay $0x3  }
0x19: {  	_ =	swait.ge [sflag:s5], $0x100  }
0x1a: {  	[sflag:s5] =	ssyncset.done $0x0  }
0x1b: {  	s13 =	simm.s32 $0x0;
	[sflag:s5] =	ssyncadd.s32 $0xFFFFFF00  }
0x1c: {  	v0 =	vld.msk [tilespmem:s13+$0x100 ss:$0x1], $0xffff;
	_ =	sdelay $0x4  }
0x1d: {  	vm2 =	vgt.s32 v0, $0x0  }
0x1e: {  	v0 =	vnsel vm2, $0x0, v0  }
0x1f: {  	v0 =	vmin.u32 v0, $0x1FBF  }
0x20: {  	v0 =	vshll.u32 v0, $0x4;
	_ =	sdelay $0x3  }
0x21: {  	s13 =	simm.s32 $0x8200  }
0x22: {  	[tilespmem:s13], [sflag:$0x1] =	stream.indirect_vreg.gather [hbm:s3], $0x80, v0, vm0, $0x38;
	[tilespmem:$0x10200] =	vst v63  }
0x23: {  	s14 =	simm.s32 $0x8600;
	s31 =	simm.s32 $0x10  }
0x24: {  	[tilespmem:s14], [sflag:$0x1] =	stream.indirect_vreg.gather [hbm:s3], $0x80, v0, vm1, $0x38;
	[tilespmem:$0x10200] =	vst v63  }
0x25: {  	s14 =	simm.s32 $0x80;
	v0 =	vld.msk [tilespmem:s31+$0x100 ss:$0x1], $0xffff  }
.LBB2_5:
0x26: {  	p0 =	sne.s32 s14, $0x3C0;
	_ =	sdelay $0x4  }
0x27: {  	vm2 =	vgt.s32 v0, $0x0  }
0x28: {  	v0 =	vnsel vm2, $0x0, v0  }
0x29: {  	v0 =	vmin.u32 v0, $0x1FBF  }
0x2a: {  	v0 =	vshll.u32 v0, $0x4;
	_ =	sdelay $0x3  }
.Ltmp4:
0x2b: {  	s13 =	sadd.s32 $0x800, s13;
	(pc) =	sbr.rel @p0 .LBB2_5-.Ltmp4, $4  }
0x2c: {  	[tilespmem:s13], [sflag:$0x1] =	stream.indirect_vreg.gather [hbm:s3], $0x80, v0, vm0, $0x38;
	[tilespmem:$0x10200] =	vst v63  }
0x2d: {  	s15 =	sshra.s32 s14, $0x2;
	s16 =	sadd.s32 $0x400, s13  }
0x2e: {  	[tilespmem:s16], [sflag:$0x1] =	stream.indirect_vreg.gather [hbm:s3], $0x80, v0, vm1, $0x38;
	[tilespmem:$0x10200] =	vst v63  }
0x2f: {  	s14 =	sadd.s32 $0x40, s14;
	v0 =	vld.msk [tilespmem:s15+$0x100 ss:$0x1], $0xffff  }
0x30: {  	_ =	sdelay $0x3  }
0x31: {  	vm2 =	vgt.s32 v0, $0x0  }
0x32: {  	v0 =	vnsel vm2, $0x0, v0  }
0x33: {  	v0 =	vmin.u32 v0, $0x1FBF  }
0x34: {  	v0 =	vshll.u32 v0, $0x4;
	_ =	sdelay $0x3  }
0x35: {  	s13 =	sadd.s32 $0x800, s13  }
0x36: {  	[tilespmem:s13], [sflag:$0x1] =	stream.indirect_vreg.gather [hbm:s3], $0x80, v0, vm0, $0x38;
	[tilespmem:$0x10200] =	vst v63  }
0x37: {  	s13 =	sadd.s32 $0x400, s13  }
0x38: {  	[tilespmem:s13], [sflag:$0x1] =	stream.indirect_vreg.gather [hbm:s3], $0x80, v0, vm1, $0x38;
	[tilespmem:$0x10200] =	vst v63  }
0x39: {  	s12 =	sshll.u32 s12, $0x4;
	s14 =	simm.s32 $0x80;
	_ =	swait.ge [sflag:s4], $0x8000  }
0x3a: {  	s15 =	simm.s32 $0x8600;
	s12 =	sadd.s32 s12, s7;
	[sflag:s4] =	ssyncset.done $0x0  }
0x3b: {  	s16 =	sadd.s32 $0x0, s12;
	s13 =	simm.s32 $0x8200;
	[sflag:s4] =	ssyncadd.s32 $0xFFFF8000  }
.LBB2_7:
0x3c: {  	[hbm:s16] =	stream.linear.scatter [tilespmem:s13], [sflag:$0x3], $0x400, $0x38;
	[tilespmem:$0x10200] =	vst v63  }
0x3d: {  	s16 =	smov.u32 s14;
	s13 =	smov.u32 s15;
	p0 =	sne.s32 s14, $0xF80  }
.Ltmp5:
0x3e: {  	s14 =	sadd.s32 $0x80, s14;
	(pc) =	sbr.rel @p0 .LBB2_7-.Ltmp5, $2  }
0x3f: {  	_ =	sdelay $0x2  }
0x40: {  	s15 =	sadd.s32 $0x400, s15;
	s16 =	sadd.s32 s16, s12  }
.Ltmp6:
0x41: {  	(pc) =	sbr.rel .LBB2_9-.Ltmp6, $2  }
0x42: {  	_ =	sdelay $0x2  }
0x43: {  	[hbm:s16] =	stream.linear.scatter [tilespmem:s13], [sflag:$0x3], $0x400, $0x38;
	[tilespmem:$0x10200] =	vst v63  }
.LBB2_2:
.Ltmp7:
0x44: {  	(pc) =	sbr.rel .LBB2_10-.Ltmp7, $4  }
0x45: {  	_ = 	snop  }
0x46: {  	s12 =	sshrl.u32 s11, $0x3  }
0x47: {  	s13 =	sand.u32 $0x7, s11;
	s12 =	sadd.s32 s2, s12  }
0x48: {  	[tilespmem:s9], [sflag:$0x2] =	stream.linear.gather [hbm4b:s12+s13], $0x100, $0x38;
	[tilespmem:$0x10200] =	vst v63  }
.LBB2_11:
0x49: {  	s2 =	simm.s32 $0x3  }
0x4a: {  	_ =	swait.ge [sflag:s2], $0x8000  }
0x4b: {  	[sflag:s2] =	ssyncset.done $0x0  }
0x4c: {  	[sflag:s2] =	ssyncadd.s32 $0xFFFF8000  }
0x4d: {  	_ =	sfence.sel $0x180000  }
0x4e: {  	s3 =	simm.s32 $0x2;
	[bflag:$0x0] =	sbarrier.arrive $0xFFFF  }
0x4f: {  	[sflag:s3] =	ssyncpa.u1 $0x1  }
0x50: {  	s31 =	simm.s32 $0x1;
	[sflag:s2] =	ssyncpa.u1 $0x1  }
0x51: {  	[sflag:s31] =	ssyncpa.u1 $0x1  }
0x52: {  	p0 =	sne.s32 s1, $0x0;
	_ =	strace $0x9000004A  }
0x53: {  	s0 =	sadd.s32 @!p0 $0x100000, s0;
	[bflag:$0x2] =	sbarrier.arrive $0xFFFF  }
0x54: {  	[sflag:s0] =	ssyncadd.tile.s32 @!p0 $0x1;
	_ =	shalt  }
.Lfunc_end2:
_tile_overlayer_lowered:
.L_overlay_start_2:
0x55: {  	(tag) =	ssettag $0x2  }
0x56: {  	s0 =	rddreg [dreg:$0x0];
	s2 =	stileid.u32  }
0x57: {  	s1 =	rddreg [dreg:$0x1];
	p0 =	sne.s32 s2, $0x0  }
0x58: {  	s3 =	rddreg [dreg:$0x2];
	[bflag:$0x3] =	sbarrier.arrive $0xFFFF;
	s2 =	simm.s32 @!p0 $0x1C01  }
0x59: {  	[timem:s3], [sflag:s2] =	dma.local @!p0 [hbm:s0], s1  }
0x5a: {  	s0 =	simm.s32 @!p0 $0x1  }
0x5b: {  	_ =	swait.ge @!p0 [sflag:s0], s1  }
0x5c: {  	s1 =	ssub.s32 @!p0 $0x0, s1;
	[sflag:s0] =	ssyncset.done @!p0 $0x0  }
0x5d: {  	[sflag:s0] =	ssyncadd.s32 @!p0 s1  }
0x5e: {  	[bflag:$0x3] =	sbarrier.arrive $0xFFFF  }
0x5f: {  	_ =	shalt  }

</sc_bundles>
